<compile_context>
chip_gen: v7x
topology: tpu7x:2x2x1
jax: 0.10.2.dev20260603
libtpu: 0.0.44.dev20260713+nightly
codegen_flags: <defaults>
</compile_context>

<pallas_src>
import functools
import numpy as np
import jax
import jax.numpy as jnp
from jax import lax
from jax.experimental import pallas as pl
from jax.experimental.pallas import tpu as pltpu
from jax.experimental.pallas import tpu_sc as plsc

H = 8
HD = 64
BLOCK = 128
N_HASHES = 2
NUM_W = 8
CDIM = 6
N = 8192
NB = N // BLOCK
D = 128
PEPAD = 8
SCALE = 1.0 / np.sqrt(HD + CDIM)

_SC = plsc.get_sparse_core_info()
NW = _SC.num_cores * _SC.num_subcores
_MESH = plsc.VectorSubcoreMesh(core_axis_name="c", subcore_axis_name="s")



_GB = (N_HASHES * N) // NW
_GC = _GB // BLOCK


@functools.partial(
    pl.kernel, mesh=_MESH,
    out_type=jax.ShapeDtypeStruct((N_HASHES * N, D), jnp.float32),
    scratch_types=[
        pltpu.VMEM((_GC, BLOCK), jnp.int32),
        pltpu.VMEM((_GB, D), jnp.float32),
        pltpu.SemaphoreType.DMA,
    ],
)
def _sc_gather(table_hbm, idx_hbm, out_hbm, idx_v, rows_v, sem):
    wid = lax.axis_index("s") * _SC.num_cores + lax.axis_index("c")
    pltpu.sync_copy(idx_hbm.at[pl.ds(wid * _GC, _GC)], idx_v)
    cps = [pltpu.async_copy(table_hbm.at[idx_v.at[j]],
                            rows_v.at[pl.ds(j * BLOCK, BLOCK)], sem)
           for j in range(_GC)]
    for c in cps:
        c.wait()
    pltpu.sync_copy(rows_v, out_hbm.at[pl.ds(wid * _GB, _GB)])



_CB = N // NW
_CC = _CB // BLOCK


@functools.partial(
    pl.kernel, mesh=_MESH,
    out_type=jax.ShapeDtypeStruct((N, D), jnp.float32),
    scratch_types=[
        pltpu.VMEM((_CC, BLOCK), jnp.int32),
        pltpu.VMEM((_CC, BLOCK), jnp.int32),
        pltpu.VMEM((_CB, D), jnp.float32),
        pltpu.VMEM((_CB, D), jnp.float32),
        pltpu.SemaphoreType.DMA,
    ],
)
def _sc_combine(ys_hbm, inv_hbm, out_hbm, i0_v, i1_v, a_v, b_v, sem):
    wid = lax.axis_index("s") * _SC.num_cores + lax.axis_index("c")
    nrow = N // BLOCK
    pltpu.sync_copy(inv_hbm.at[pl.ds(wid * _CC, _CC)], i0_v)
    pltpu.sync_copy(inv_hbm.at[pl.ds(nrow + wid * _CC, _CC)], i1_v)
    cps = []
    for j in range(_CC):
        cps.append(pltpu.async_copy(ys_hbm.at[i0_v.at[j]],
                                    a_v.at[pl.ds(j * BLOCK, BLOCK)], sem))
        cps.append(pltpu.async_copy(ys_hbm.at[i1_v.at[j]],
                                    b_v.at[pl.ds(j * BLOCK, BLOCK)], sem))
    for c in cps:
        c.wait()

    def body(i, carry):
        for j in range(D // 16):
            sl = pl.ds(j * 16, 16)
            a_v[i, sl] = a_v[i, sl] + b_v[i, sl]
        return carry

    lax.fori_loop(0, _CB, body, 0)
    pltpu.sync_copy(a_v, out_hbm.at[pl.ds(wid * _CB, _CB)])



MB = 1


def _attn_block(g_ref, wq_ref, wk_ref, wv_ref, wo_ref, gg_ref, bb_ref,
                weff_ref, out_ref):
    for mb in range(MB):
        _attn_one(g_ref, wq_ref, wk_ref, wv_ref, wo_ref, gg_ref, bb_ref,
                  weff_ref, out_ref, mb)


def _attn_one(g_ref, wq_ref, wk_ref, wv_ref, wo_ref, gg_ref, bb_ref,
              weff_ref, out_ref, mb):
    bf = jnp.bfloat16
    gb = g_ref[0, mb]
    xb = gb[:, :HD]
    pe = gb[:, HD:HD + PEPAD]

    mu = jnp.mean(xb, axis=-1, keepdims=True)
    xc = xb - mu
    var = jnp.mean(xc * xc, axis=-1, keepdims=True)
    xn = (xc * lax.rsqrt(var + 1e-5) * gg_ref[0:1, :] + bb_ref[0:1, :]).astype(bf)

    f32 = jnp.float32
    dot = lambda a, b: lax.dot_general(
        a, b, (((1,), (0,)), ((), ())), preferred_element_type=f32)
    dott = lambda a, b: lax.dot_general(
        a, b, (((1,), (1,)), ((), ())), preferred_element_type=f32)

    q = dot(xn, wq_ref[...]).astype(bf)
    k = dot(xn, wk_ref[...]).astype(bf)
    v = dot(xn, wv_ref[...]).astype(bf)
    peb = pe.astype(bf)
    pp = dott(peb, peb)

    pet = lax.transpose(pe, (1, 0))
    ds = []
    for f in range(CDIM - 1):
        colv = jnp.broadcast_to(pe[:, f:f + 1], (BLOCK, BLOCK))
        rowv = jnp.broadcast_to(pet[f:f + 1, :], (BLOCK, BLOCK))
        ds.append(jnp.abs(colv - rowv).astype(bf))
    dbig = jnp.concatenate(ds + [jnp.ones((BLOCK, 8), bf)], axis=-1)
    bias_all = dot(dbig, weff_ref[...])

    ss = [(dott(q[:, h * HD:(h + 1) * HD], k[:, h * HD:(h + 1) * HD]) + pp)
          * SCALE + bias_all[:, h * BLOCK:(h + 1) * BLOCK] for h in range(H)]
    ms = [jnp.max(s, axis=-1, keepdims=True) for s in ss]
    es = [jnp.exp(s - m) for s, m in zip(ss, ms)]
    rs = [jnp.reciprocal(jnp.sum(e, axis=-1, keepdims=True)) for e in es]
    ws = [(e * r).astype(bf) for e, r in zip(es, rs)]
    outs = [dot(w, v[:, h * HD:(h + 1) * HD]).astype(bf)
            for h, w in enumerate(ws)]
    ob = jnp.concatenate(outs, axis=-1)
    out_ref[0, mb] = dot(ob, wo_ref[...]) * (1.0 / N_HASHES)


def _run_attention(g, Wq, Wk, Wv, Wo_pad, g2, b2, weff):
    wspec = lambda s: pl.BlockSpec(s, lambda r, b: (0,) * len(s))
    return pl.pallas_call(
        _attn_block,
        grid=(N_HASHES, NB // MB),
        in_specs=[
            pl.BlockSpec((1, MB, BLOCK, D), lambda r, b: (r, b, 0, 0)),
            wspec((HD, H * HD)),
            wspec((HD, H * HD)),
            wspec((HD, H * HD)),
            wspec((H * HD, D)),
            wspec((1, HD)),
            wspec((1, HD)),
            wspec(((CDIM - 1) * BLOCK + 8, H * BLOCK)),
        ],
        out_specs=pl.BlockSpec((1, MB, BLOCK, D), lambda r, b: (r, b, 0, 0)),
        out_shape=jax.ShapeDtypeStruct((N_HASHES, NB, BLOCK, D), jnp.float32),
        compiler_params=pltpu.CompilerParams(
            dimension_semantics=("parallel", "parallel")),
    )(g, Wq, Wk, Wv, Wo_pad, g2, b2, weff)


def kernel(x, coords, Wq, Wk, Wv, ln_g, ln_b, Wrpe, brpe, Wo):
    R = jax.random.normal(jax.random.key(42), (CDIM, N_HASHES), dtype=jnp.float32)
    proj = coords @ R
    orders = jnp.argsort(proj, axis=0).T

    iota = jnp.arange(N, dtype=jnp.int32)
    inv0 = jnp.zeros((N,), jnp.int32).at[orders[0]].set(iota)
    inv1 = jnp.zeros((N,), jnp.int32).at[orders[1]].set(iota)
    inv_cat = jnp.concatenate([inv0, inv1 + N]).reshape(-1, BLOCK)

    table = jnp.concatenate(
        [x, coords, jnp.zeros((N, D - HD - CDIM), jnp.float32)], axis=1)

    g = _sc_gather(table, orders.reshape(-1, BLOCK))
    g = g.reshape(N_HASHES, NB, BLOCK, D)

    W_eff = Wrpe.reshape(CDIM - 1, NUM_W, H, HD).sum(axis=(1, 3))
    b_eff = brpe.reshape(H, HD).sum(-1)
    eye = jnp.eye(BLOCK, dtype=jnp.float32)
    wb = jnp.einsum('fh,jJ->fjhJ', W_eff, eye).reshape(
        (CDIM - 1) * BLOCK, H * BLOCK)
    weff = jnp.concatenate(
        [wb, jnp.repeat(b_eff, BLOCK)[None, :],
         jnp.zeros((7, H * BLOCK), jnp.float32)], axis=0).astype(jnp.bfloat16)

    Wo_pad = jnp.pad(Wo, ((0, 0), (0, D - HD))).astype(jnp.bfloat16)

    ys = _run_attention(g, Wq.astype(jnp.bfloat16), Wk.astype(jnp.bfloat16),
                        Wv.astype(jnp.bfloat16), Wo_pad,
                        ln_g.reshape(1, HD), ln_b.reshape(1, HD), weff)
    y = _sc_combine(ys.reshape(N_HASHES * N, D), inv_cat)
    return y[:, :HD]

# --- scband reference (transcript-rebuilt; emitter-appended) ---
"""Pipeline reference for scband-lshattn-bucketing-37383395344518 (READ-ONLY COPY).

The authoritative reference and input builder live on the scoring server;
editing this copy changes nothing except your own understanding.
"""

import jax, jax.numpy as jnp
import numpy as np

H = 8
HD = 64
BLOCK = 128
N_HASHES = 2
NUM_W = 8
CDIM = 6
N = 8192


def setup_inputs(seed: int = 0):
    key = jax.random.key(seed)
    ks = jax.random.split(key, 8)
    x = jax.random.normal(ks[0], (N, HD), dtype=jnp.float32)
    coords = jax.random.uniform(ks[1], (N, CDIM), dtype=jnp.float32)
    s = 1.0 / np.sqrt(HD)
    Wq = jax.random.normal(ks[2], (HD, H * HD), dtype=jnp.float32) * s
    Wk = jax.random.normal(ks[3], (HD, H * HD), dtype=jnp.float32) * s
    Wv = jax.random.normal(ks[4], (HD, H * HD), dtype=jnp.float32) * s
    ln_g = jnp.ones((HD,), dtype=jnp.float32)
    ln_b = jnp.zeros((HD,), dtype=jnp.float32)
    Wrpe = jax.random.normal(ks[5], (NUM_W * (CDIM - 1), H * HD), dtype=jnp.float32) * 0.02
    brpe = jnp.zeros((H * HD,), dtype=jnp.float32)
    Wo = jax.random.normal(ks[6], (H * HD, HD), dtype=jnp.float32) * (1.0 / np.sqrt(H * HD))
    return {"x": x, "coords": coords, "Wq": Wq, "Wk": Wk, "Wv": Wv,
            "ln_g": ln_g, "ln_b": ln_b, "Wrpe": Wrpe, "brpe": brpe, "Wo": Wo}


def _bucketed_attention(q, k, v, pe, Wrpe, brpe, order):
    # q, k, v: [H, N, HD]; pe: [N, CDIM]; order: [N] permutation from LSH sort
    nb = N // BLOCK
    qs = q[:, order, :].reshape(H, nb, BLOCK, HD)
    ks_ = k[:, order, :].reshape(H, nb, BLOCK, HD)
    vs = v[:, order, :].reshape(H, nb, BLOCK, HD)
    pes = pe[order].reshape(nb, BLOCK, CDIM)
    # concat positional encodings onto q/k (dim_per_head + coords_dim), as in HEPTAttention
    pe_b = jnp.broadcast_to(pes[None], (H, nb, BLOCK, CDIM))
    qf = jnp.concatenate([qs, pe_b], axis=-1)
    kf = jnp.concatenate([ks_, pe_b], axis=-1)
    # relative positional encoding: w_rpe over num_w_per_dist * (coords_dim - 1) distance feats,
    # repeat factored algebraically into the weight (identical math, no 40x blowup)
    d = jnp.abs(pes[:, :, None, :CDIM - 1] - pes[:, None, :, :CDIM - 1])  # [nb, B, B, 5]
    W_eff = Wrpe.reshape(CDIM - 1, NUM_W, H, HD).sum(axis=(1, 3))  # [5, H]
    b_eff = brpe.reshape(H, HD).sum(-1)  # [H]
    bias = jnp.einsum('nijf,fh->hnij', d, W_eff) + b_eff[:, None, None, None]
    scores = jnp.einsum('hnid,hnjd->hnij', qf, kf) / np.sqrt(HD + CDIM) + bias
    attn = jax.nn.softmax(scores, axis=-1)
    out = jnp.einsum('hnij,hnjd->hnid', attn, vs).reshape(H, N, HD)
    inv = jnp.argsort(order)
    return out[:, inv, :]


def reference(x, coords, Wq, Wk, Wv, ln_g, ln_b, Wrpe, brpe, Wo):
    mu = jnp.mean(x, axis=-1, keepdims=True)
    var = jnp.var(x, axis=-1, keepdims=True)
    xn = (x - mu) / jnp.sqrt(var + 1e-5) * ln_g + ln_b
    q = (xn @ Wq).reshape(N, H, HD).transpose(1, 0, 2)
    k = (xn @ Wk).reshape(N, H, HD).transpose(1, 0, 2)
    v = (xn @ Wv).reshape(N, H, HD).transpose(1, 0, 2)
    # LSH: random projections of coords define bucket order per hash round
    R = jax.random.normal(jax.random.key(42), (CDIM, N_HASHES), dtype=jnp.float32)
    proj = coords @ R  # [N, n_hashes]
    out = jnp.zeros((H, N, HD), dtype=jnp.float32)
    for r in range(N_HASHES):
        order = jnp.argsort(proj[:, r])
        out = out + _bucketed_attention(q, k, v, coords, Wrpe, brpe, order)
    out = (out / N_HASHES).transpose(1, 0, 2).reshape(N, H * HD)
    return out @ Wo

if __name__ == "__main__":
    import jax
    _d = setup_inputs()
    print(jax.jit(kernel)(*tuple(_d.values())))

</pallas_src>

<mosaic_0001>
#map = affine_map<(d0, d1) -> (0, 0)>
module attributes {stable_mosaic.version = 14 : i64} {
  func.func @_sc_combine(%arg0: i32, %arg1: i32, %arg2: memref<16384x128xf32, #tpu.memory_space<hbm>>, %arg3: memref<128x128xi32, #tpu.memory_space<hbm>>, %arg4: memref<8192x128xf32, #tpu.memory_space<hbm>>, %arg5: memref<2x128xi32, #tpu.memory_space<vmem>>, %arg6: memref<2x128xi32, #tpu.memory_space<vmem>>, %arg7: memref<256x128xf32, #tpu.memory_space<vmem>>, %arg8: memref<256x128xf32, #tpu.memory_space<vmem>>, %arg9: memref<!tpu.dma_semaphore, #tpu.memory_space<semaphore_mem>>) attributes {dimension_semantics = [#tpu.dimension_semantics<core_parallel>, #tpu.dimension_semantics<subcore_parallel>], iteration_bounds = array<i64: 2, 16>, scalar_prefetch = 0 : i64, scratch_operands = 5 : i64, tpu.core_type = #tpu.core_type<sc_vector_subcore>, window_params = [{transform_indices = #map}, {transform_indices = #map}, {transform_indices = #map}]} {
    %mul3A = arith.constant 2 : i32
    %mul3A_0 = arith.muli %arg1, %mul3A : i32
    %add3A = arith.addi %mul3A_0, %arg0 : i32
    %mul3A_1 = arith.constant 2 : i32
    %mul3A_2 = arith.muli %add3A, %mul3A_1 : i32
    "tpu.region"() ({
      %run_scoped3A = tpu.sem_alloc : memref<!tpu.dma_semaphore, #tpu.memory_space<semaphore_mem>>
      %dma_start3A_92 = arith.constant 0 : i32
      %dma_start3A_93 = tpu.memref_slice %arg3[%mul3A_2, %dma_start3A_92] : memref<128x128xi32, #tpu.memory_space<hbm>> -> memref<2x128xi32, #tpu.memory_space<hbm>>
      %dma_start3A_94 = arith.constant 0 : i32
      %dma_start3A_95 = tpu.memref_slice %arg3[%mul3A_2, %dma_start3A_94] : memref<128x128xi32, #tpu.memory_space<hbm>> -> memref<2x128xi32, #tpu.memory_space<hbm>>
      tpu.enqueue_dma source(%dma_start3A_95 : memref<2x128xi32, #tpu.memory_space<hbm>>) target(%arg5 : memref<2x128xi32, #tpu.memory_space<vmem>>) target_semaphore(%run_scoped3A : memref<!tpu.dma_semaphore, #tpu.memory_space<semaphore_mem>>)
      %dma_wait3A_96 = arith.constant 0 : i32
      %dma_wait3A_97 = tpu.memref_slice %arg3[%mul3A_2, %dma_wait3A_96] : memref<128x128xi32, #tpu.memory_space<hbm>> -> memref<2x128xi32, #tpu.memory_space<hbm>>
      %dma_wait3A_98 = arith.constant 0 : i32
      %dma_wait3A_99 = tpu.memref_slice %arg3[%mul3A_2, %dma_wait3A_98] : memref<128x128xi32, #tpu.memory_space<hbm>> -> memref<2x128xi32, #tpu.memory_space<hbm>>
      tpu.wait_dma2 semaphore(%run_scoped3A : memref<!tpu.dma_semaphore, #tpu.memory_space<semaphore_mem>>) src(%dma_wait3A_99 : memref<2x128xi32, #tpu.memory_space<hbm>>) dst(%arg5 : memref<2x128xi32, #tpu.memory_space<vmem>>)
      tpu.yield
    }) : () -> ()
    %mul3A_3 = arith.constant 2 : i32
    %mul3A_4 = arith.muli %add3A, %mul3A_3 : i32
    %add3A_5 = arith.constant 64 : i32
    %add3A_6 = arith.addi %add3A_5, %mul3A_4 : i32
    "tpu.region"() ({
      %run_scoped3A = tpu.sem_alloc : memref<!tpu.dma_semaphore, #tpu.memory_space<semaphore_mem>>
      %dma_start3A_92 = arith.constant 0 : i32
      %dma_start3A_93 = tpu.memref_slice %arg3[%add3A_6, %dma_start3A_92] : memref<128x128xi32, #tpu.memory_space<hbm>> -> memref<2x128xi32, #tpu.memory_space<hbm>>
      %dma_start3A_94 = arith.constant 0 : i32
      %dma_start3A_95 = tpu.memref_slice %arg3[%add3A_6, %dma_start3A_94] : memref<128x128xi32, #tpu.memory_space<hbm>> -> memref<2x128xi32, #tpu.memory_space<hbm>>
      tpu.enqueue_dma source(%dma_start3A_95 : memref<2x128xi32, #tpu.memory_space<hbm>>) target(%arg6 : memref<2x128xi32, #tpu.memory_space<vmem>>) target_semaphore(%run_scoped3A : memref<!tpu.dma_semaphore, #tpu.memory_space<semaphore_mem>>)
      %dma_wait3A_96 = arith.constant 0 : i32
      %dma_wait3A_97 = tpu.memref_slice %arg3[%add3A_6, %dma_wait3A_96] : memref<128x128xi32, #tpu.memory_space<hbm>> -> memref<2x128xi32, #tpu.memory_space<hbm>>
      %dma_wait3A_98 = arith.constant 0 : i32
      %dma_wait3A_99 = tpu.memref_slice %arg3[%add3A_6, %dma_wait3A_98] : memref<128x128xi32, #tpu.memory_space<hbm>> -> memref<2x128xi32, #tpu.memory_space<hbm>>
      tpu.wait_dma2 semaphore(%run_scoped3A : memref<!tpu.dma_semaphore, #tpu.memory_space<semaphore_mem>>) src(%dma_wait3A_99 : memref<2x128xi32, #tpu.memory_space<hbm>>) dst(%arg6 : memref<2x128xi32, #tpu.memory_space<vmem>>)
      tpu.yield
    }) : () -> ()
    %dma_start3A = arith.constant 0 : i32
    %dma_start3A_7 = arith.constant 0 : i32
    %dma_start3A_8 = arith.constant 0 : i32
    %dma_start3A_9 = tpu.memref_slice %arg7[%dma_start3A_7, %dma_start3A_8] : memref<256x128xf32, #tpu.memory_space<vmem>> -> memref<128x128xf32, #tpu.memory_space<vmem>>
    %dma_start3A_10 = arith.constant 0 : i32
    %dma_start3A_11 = tpu.memref_slice %arg5[%dma_start3A, %dma_start3A_10] : memref<2x128xi32, #tpu.memory_space<vmem>> -> memref<1x128xi32, #tpu.memory_space<vmem>>
    %dma_start3A_12 = tpu.memref_squeeze %dma_start3A_11 : memref<1x128xi32, #tpu.memory_space<vmem>> -> memref<128xi32, #tpu.memory_space<vmem>>
    %dma_start3A_13 = arith.constant 0 : i32
    %dma_start3A_14 = arith.constant 0 : i32
    %dma_start3A_15 = tpu.memref_slice %arg2[%dma_start3A_13, %dma_start3A_14] : memref<16384x128xf32, #tpu.memory_space<hbm>> -> memref<16384x128xf32, #tpu.memory_space<hbm>>
    tpu.enqueue_indirect_dma source(%dma_start3A_15 : memref<16384x128xf32, #tpu.memory_space<hbm>>) target(%dma_start3A_9 : memref<128x128xf32, #tpu.memory_space<vmem>>) offsets(%dma_start3A_12 : memref<128xi32, #tpu.memory_space<vmem>>) semaphore(%arg9 : memref<!tpu.dma_semaphore, #tpu.memory_space<semaphore_mem>>)
    %dma_start3A_16 = arith.constant 0 : i32
    %dma_start3A_17 = arith.constant 0 : i32
    %dma_start3A_18 = arith.constant 0 : i32
    %dma_start3A_19 = tpu.memref_slice %arg8[%dma_start3A_17, %dma_start3A_18] : memref<256x128xf32, #tpu.memory_space<vmem>> -> memref<128x128xf32, #tpu.memory_space<vmem>>
    %dma_start3A_20 = arith.constant 0 : i32
    %dma_start3A_21 = tpu.memref_slice %arg6[%dma_start3A_16, %dma_start3A_20] : memref<2x128xi32, #tpu.memory_space<vmem>> -> memref<1x128xi32, #tpu.memory_space<vmem>>
    %dma_start3A_22 = tpu.memref_squeeze %dma_start3A_21 : memref<1x128xi32, #tpu.memory_space<vmem>> -> memref<128xi32, #tpu.memory_space<vmem>>
    %dma_start3A_23 = arith.constant 0 : i32
    %dma_start3A_24 = arith.constant 0 : i32
    %dma_start3A_25 = tpu.memref_slice %arg2[%dma_start3A_23, %dma_start3A_24] : memref<16384x128xf32, #tpu.memory_space<hbm>> -> memref<16384x128xf32, #tpu.memory_space<hbm>>
    tpu.enqueue_indirect_dma source(%dma_start3A_25 : memref<16384x128xf32, #tpu.memory_space<hbm>>) target(%dma_start3A_19 : memref<128x128xf32, #tpu.memory_space<vmem>>) offsets(%dma_start3A_22 : memref<128xi32, #tpu.memory_space<vmem>>) semaphore(%arg9 : memref<!tpu.dma_semaphore, #tpu.memory_space<semaphore_mem>>)
    %dma_start3A_26 = arith.constant 1 : i32
    %dma_start3A_27 = arith.constant 128 : i32
    %dma_start3A_28 = arith.constant 0 : i32
    %dma_start3A_29 = tpu.memref_slice %arg7[%dma_start3A_27, %dma_start3A_28] : memref<256x128xf32, #tpu.memory_space<vmem>> -> memref<128x128xf32, #tpu.memory_space<vmem>>
    %dma_start3A_30 = arith.constant 0 : i32
    %dma_start3A_31 = tpu.memref_slice %arg5[%dma_start3A_26, %dma_start3A_30] : memref<2x128xi32, #tpu.memory_space<vmem>> -> memref<1x128xi32, #tpu.memory_space<vmem>>
    %dma_start3A_32 = tpu.memref_squeeze %dma_start3A_31 : memref<1x128xi32, #tpu.memory_space<vmem>> -> memref<128xi32, #tpu.memory_space<vmem>>
    %dma_start3A_33 = arith.constant 0 : i32
    %dma_start3A_34 = arith.constant 0 : i32
    %dma_start3A_35 = tpu.memref_slice %arg2[%dma_start3A_33, %dma_start3A_34] : memref<16384x128xf32, #tpu.memory_space<hbm>> -> memref<16384x128xf32, #tpu.memory_space<hbm>>
    tpu.enqueue_indirect_dma source(%dma_start3A_35 : memref<16384x128xf32, #tpu.memory_space<hbm>>) target(%dma_start3A_29 : memref<128x128xf32, #tpu.memory_space<vmem>>) offsets(%dma_start3A_32 : memref<128xi32, #tpu.memory_space<vmem>>) semaphore(%arg9 : memref<!tpu.dma_semaphore, #tpu.memory_space<semaphore_mem>>)
    %dma_start3A_36 = arith.constant 1 : i32
    %dma_start3A_37 = arith.constant 128 : i32
    %dma_start3A_38 = arith.constant 0 : i32
    %dma_start3A_39 = tpu.memref_slice %arg8[%dma_start3A_37, %dma_start3A_38] : memref<256x128xf32, #tpu.memory_space<vmem>> -> memref<128x128xf32, #tpu.memory_space<vmem>>
    %dma_start3A_40 = arith.constant 0 : i32
    %dma_start3A_41 = tpu.memref_slice %arg6[%dma_start3A_36, %dma_start3A_40] : memref<2x128xi32, #tpu.memory_space<vmem>> -> memref<1x128xi32, #tpu.memory_space<vmem>>
    %dma_start3A_42 = tpu.memref_squeeze %dma_start3A_41 : memref<1x128xi32, #tpu.memory_space<vmem>> -> memref<128xi32, #tpu.memory_space<vmem>>
    %dma_start3A_43 = arith.constant 0 : i32
    %dma_start3A_44 = arith.constant 0 : i32
    %dma_start3A_45 = tpu.memref_slice %arg2[%dma_start3A_43, %dma_start3A_44] : memref<16384x128xf32, #tpu.memory_space<hbm>> -> memref<16384x128xf32, #tpu.memory_space<hbm>>
    tpu.enqueue_indirect_dma source(%dma_start3A_45 : memref<16384x128xf32, #tpu.memory_space<hbm>>) target(%dma_start3A_39 : memref<128x128xf32, #tpu.memory_space<vmem>>) offsets(%dma_start3A_42 : memref<128xi32, #tpu.memory_space<vmem>>) semaphore(%arg9 : memref<!tpu.dma_semaphore, #tpu.memory_space<semaphore_mem>>)
    %dma_wait3A = arith.constant 0 : i32
    %dma_wait3A_46 = arith.constant 0 : i32
    %dma_wait3A_47 = arith.constant 0 : i32
    %dma_wait3A_48 = tpu.memref_slice %arg7[%dma_wait3A_46, %dma_wait3A_47] : memref<256x128xf32, #tpu.memory_space<vmem>> -> memref<128x128xf32, #tpu.memory_space<vmem>>
    %dma_wait3A_49 = arith.constant 0 : i32
    %dma_wait3A_50 = tpu.memref_slice %arg5[%dma_wait3A, %dma_wait3A_49] : memref<2x128xi32, #tpu.memory_space<vmem>> -> memref<1x128xi32, #tpu.memory_space<vmem>>
    %dma_wait3A_51 = tpu.memref_squeeze %dma_wait3A_50 : memref<1x128xi32, #tpu.memory_space<vmem>> -> memref<128xi32, #tpu.memory_space<vmem>>
    %dma_wait3A_52 = arith.constant 0 : i32
    %dma_wait3A_53 = arith.constant 0 : i32
    %dma_wait3A_54 = tpu.memref_slice %arg2[%dma_wait3A_52, %dma_wait3A_53] : memref<16384x128xf32, #tpu.memory_space<hbm>> -> memref<16384x128xf32, #tpu.memory_space<hbm>>
    tpu.wait_indirect_dma semaphore(%arg9 : memref<!tpu.dma_semaphore, #tpu.memory_space<semaphore_mem>>) src(%dma_wait3A_54 : memref<16384x128xf32, #tpu.memory_space<hbm>>) dst(%dma_wait3A_48 : memref<128x128xf32, #tpu.memory_space<vmem>>)
    %dma_wait3A_55 = arith.constant 0 : i32
    %dma_wait3A_56 = arith.constant 0 : i32
    %dma_wait3A_57 = arith.constant 0 : i32
    %dma_wait3A_58 = tpu.memref_slice %arg8[%dma_wait3A_56, %dma_wait3A_57] : memref<256x128xf32, #tpu.memory_space<vmem>> -> memref<128x128xf32, #tpu.memory_space<vmem>>
    %dma_wait3A_59 = arith.constant 0 : i32
    %dma_wait3A_60 = tpu.memref_slice %arg6[%dma_wait3A_55, %dma_wait3A_59] : memref<2x128xi32, #tpu.memory_space<vmem>> -> memref<1x128xi32, #tpu.memory_space<vmem>>
    %dma_wait3A_61 = tpu.memref_squeeze %dma_wait3A_60 : memref<1x128xi32, #tpu.memory_space<vmem>> -> memref<128xi32, #tpu.memory_space<vmem>>
    %dma_wait3A_62 = arith.constant 0 : i32
    %dma_wait3A_63 = arith.constant 0 : i32
    %dma_wait3A_64 = tpu.memref_slice %arg2[%dma_wait3A_62, %dma_wait3A_63] : memref<16384x128xf32, #tpu.memory_space<hbm>> -> memref<16384x128xf32, #tpu.memory_space<hbm>>
    tpu.wait_indirect_dma semaphore(%arg9 : memref<!tpu.dma_semaphore, #tpu.memory_space<semaphore_mem>>) src(%dma_wait3A_64 : memref<16384x128xf32, #tpu.memory_space<hbm>>) dst(%dma_wait3A_58 : memref<128x128xf32, #tpu.memory_space<vmem>>)
    %dma_wait3A_65 = arith.constant 1 : i32
    %dma_wait3A_66 = arith.constant 128 : i32
    %dma_wait3A_67 = arith.constant 0 : i32
    %dma_wait3A_68 = tpu.memref_slice %arg7[%dma_wait3A_66, %dma_wait3A_67] : memref<256x128xf32, #tpu.memory_space<vmem>> -> memref<128x128xf32, #tpu.memory_space<vmem>>
    %dma_wait3A_69 = arith.constant 0 : i32
    %dma_wait3A_70 = tpu.memref_slice %arg5[%dma_wait3A_65, %dma_wait3A_69] : memref<2x128xi32, #tpu.memory_space<vmem>> -> memref<1x128xi32, #tpu.memory_space<vmem>>
    %dma_wait3A_71 = tpu.memref_squeeze %dma_wait3A_70 : memref<1x128xi32, #tpu.memory_space<vmem>> -> memref<128xi32, #tpu.memory_space<vmem>>
    %dma_wait3A_72 = arith.constant 0 : i32
    %dma_wait3A_73 = arith.constant 0 : i32
    %dma_wait3A_74 = tpu.memref_slice %arg2[%dma_wait3A_72, %dma_wait3A_73] : memref<16384x128xf32, #tpu.memory_space<hbm>> -> memref<16384x128xf32, #tpu.memory_space<hbm>>
    tpu.wait_indirect_dma semaphore(%arg9 : memref<!tpu.dma_semaphore, #tpu.memory_space<semaphore_mem>>) src(%dma_wait3A_74 : memref<16384x128xf32, #tpu.memory_space<hbm>>) dst(%dma_wait3A_68 : memref<128x128xf32, #tpu.memory_space<vmem>>)
    %dma_wait3A_75 = arith.constant 1 : i32
    %dma_wait3A_76 = arith.constant 128 : i32
    %dma_wait3A_77 = arith.constant 0 : i32
    %dma_wait3A_78 = tpu.memref_slice %arg8[%dma_wait3A_76, %dma_wait3A_77] : memref<256x128xf32, #tpu.memory_space<vmem>> -> memref<128x128xf32, #tpu.memory_space<vmem>>
    %dma_wait3A_79 = arith.constant 0 : i32
    %dma_wait3A_80 = tpu.memref_slice %arg6[%dma_wait3A_75, %dma_wait3A_79] : memref<2x128xi32, #tpu.memory_space<vmem>> -> memref<1x128xi32, #tpu.memory_space<vmem>>
    %dma_wait3A_81 = tpu.memref_squeeze %dma_wait3A_80 : memref<1x128xi32, #tpu.memory_space<vmem>> -> memref<128xi32, #tpu.memory_space<vmem>>
    %dma_wait3A_82 = arith.constant 0 : i32
    %dma_wait3A_83 = arith.constant 0 : i32
    %dma_wait3A_84 = tpu.memref_slice %arg2[%dma_wait3A_82, %dma_wait3A_83] : memref<16384x128xf32, #tpu.memory_space<hbm>> -> memref<16384x128xf32, #tpu.memory_space<hbm>>
    tpu.wait_indirect_dma semaphore(%arg9 : memref<!tpu.dma_semaphore, #tpu.memory_space<semaphore_mem>>) src(%dma_wait3A_84 : memref<16384x128xf32, #tpu.memory_space<hbm>>) dst(%dma_wait3A_78 : memref<128x128xf32, #tpu.memory_space<vmem>>)
    %scan3A = arith.constant 0 : i32
    %scan3A_85 = arith.constant 0 : i32
    %scan3A_86 = arith.constant 256 : i32
    %scan3A_87 = arith.addi %scan3A_85, %scan3A_86 : i32
    %scan3A_88 = arith.constant 1 : i32
    scf.for %scan3A_92 = %scan3A_85 to %scan3A_87 step %scan3A_88  : i32 {
      %get3A = arith.index_cast %scan3A_92 : i32 to index
      %get3A_93 = arith.constant 0 : index
      %get3A_94 = tpu.vector_load %arg7[%get3A, %get3A_93] {strides = array<i32>} : memref<256x128xf32, #tpu.memory_space<vmem>>, vector<1x16xf32>,
      %get3A_95 = vector.shape_cast %get3A_94 : vector<1x16xf32> to vector<16xf32>
      %get3A_96 = arith.index_cast %scan3A_92 : i32 to index
      %get3A_97 = arith.constant 0 : index
      %get3A_98 = tpu.vector_load %arg8[%get3A_96, %get3A_97] {strides = array<i32>} : memref<256x128xf32, #tpu.memory_space<vmem>>, vector<1x16xf32>,
      %get3A_99 = vector.shape_cast %get3A_98 : vector<1x16xf32> to vector<16xf32>
      %add3A_100 = arith.addf %get3A_95, %get3A_99 : vector<16xf32>
      %swap3A = arith.index_cast %scan3A_92 : i32 to index
      %swap3A_101 = arith.constant 0 : index
      %swap3A_102 = tpu.vector_load %arg7[%swap3A, %swap3A_101] {strides = array<i32>} : memref<256x128xf32, #tpu.memory_space<vmem>>, vector<1x16xf32>,
      %swap3A_103 = vector.shape_cast %swap3A_102 : vector<1x16xf32> to vector<16xf32>
      %swap3A_104 = vector.shape_cast %add3A_100 : vector<16xf32> to vector<1x16xf32>
      tpu.vector_store %arg7[%swap3A, %swap3A_101], %swap3A_104 {strides = array<i32>} : memref<256x128xf32, #tpu.memory_space<vmem>>, vector<1x16xf32>,
      %get3A_105 = arith.index_cast %scan3A_92 : i32 to index
      %get3A_106 = arith.constant 16 : index
      %get3A_107 = tpu.vector_load %arg7[%get3A_105, %get3A_106] {strides = array<i32>} : memref<256x128xf32, #tpu.memory_space<vmem>>, vector<1x16xf32>,
      %get3A_108 = vector.shape_cast %get3A_107 : vector<1x16xf32> to vector<16xf32>
      %get3A_109 = arith.index_cast %scan3A_92 : i32 to index
      %get3A_110 = arith.constant 16 : index
      %get3A_111 = tpu.vector_load %arg8[%get3A_109, %get3A_110] {strides = array<i32>} : memref<256x128xf32, #tpu.memory_space<vmem>>, vector<1x16xf32>,
      %get3A_112 = vector.shape_cast %get3A_111 : vector<1x16xf32> to vector<16xf32>
      %add3A_113 = arith.addf %get3A_108, %get3A_112 : vector<16xf32>
      %swap3A_114 = arith.index_cast %scan3A_92 : i32 to index
      %swap3A_115 = arith.constant 16 : index
      %swap3A_116 = tpu.vector_load %arg7[%swap3A_114, %swap3A_115] {strides = array<i32>} : memref<256x128xf32, #tpu.memory_space<vmem>>, vector<1x16xf32>,
      %swap3A_117 = vector.shape_cast %swap3A_116 : vector<1x16xf32> to vector<16xf32>
      %swap3A_118 = vector.shape_cast %add3A_113 : vector<16xf32> to vector<1x16xf32>
      tpu.vector_store %arg7[%swap3A_114, %swap3A_115], %swap3A_118 {strides = array<i32>} : memref<256x128xf32, #tpu.memory_space<vmem>>, vector<1x16xf32>,
      %get3A_119 = arith.index_cast %scan3A_92 : i32 to index
      %get3A_120 = arith.constant 32 : index
      %get3A_121 = tpu.vector_load %arg7[%get3A_119, %get3A_120] {strides = array<i32>} : memref<256x128xf32, #tpu.memory_space<vmem>>, vector<1x16xf32>,
      %get3A_122 = vector.shape_cast %get3A_121 : vector<1x16xf32> to vector<16xf32>
      %get3A_123 = arith.index_cast %scan3A_92 : i32 to index
      %get3A_124 = arith.constant 32 : index
      %get3A_125 = tpu.vector_load %arg8[%get3A_123, %get3A_124] {strides = array<i32>} : memref<256x128xf32, #tpu.memory_space<vmem>>, vector<1x16xf32>,
      %get3A_126 = vector.shape_cast %get3A_125 : vector<1x16xf32> to vector<16xf32>
      %add3A_127 = arith.addf %get3A_122, %get3A_126 : vector<16xf32>
      %swap3A_128 = arith.index_cast %scan3A_92 : i32 to index
      %swap3A_129 = arith.constant 32 : index
      %swap3A_130 = tpu.vector_load %arg7[%swap3A_128, %swap3A_129] {strides = array<i32>} : memref<256x128xf32, #tpu.memory_space<vmem>>, vector<1x16xf32>,
      %swap3A_131 = vector.shape_cast %swap3A_130 : vector<1x16xf32> to vector<16xf32>
      %swap3A_132 = vector.shape_cast %add3A_127 : vector<16xf32> to vector<1x16xf32>
      tpu.vector_store %arg7[%swap3A_128, %swap3A_129], %swap3A_132 {strides = array<i32>} : memref<256x128xf32, #tpu.memory_space<vmem>>, vector<1x16xf32>,
      %get3A_133 = arith.index_cast %scan3A_92 : i32 to index
      %get3A_134 = arith.constant 48 : index
      %get3A_135 = tpu.vector_load %arg7[%get3A_133, %get3A_134] {strides = array<i32>} : memref<256x128xf32, #tpu.memory_space<vmem>>, vector<1x16xf32>,
      %get3A_136 = vector.shape_cast %get3A_135 : vector<1x16xf32> to vector<16xf32>
      %get3A_137 = arith.index_cast %scan3A_92 : i32 to index
      %get3A_138 = arith.constant 48 : index
      %get3A_139 = tpu.vector_load %arg8[%get3A_137, %get3A_138] {strides = array<i32>} : memref<256x128xf32, #tpu.memory_space<vmem>>, vector<1x16xf32>,
      %get3A_140 = vector.shape_cast %get3A_139 : vector<1x16xf32> to vector<16xf32>
      %add3A_141 = arith.addf %get3A_136, %get3A_140 : vector<16xf32>
      %swap3A_142 = arith.index_cast %scan3A_92 : i32 to index
      %swap3A_143 = arith.constant 48 : index
      %swap3A_144 = tpu.vector_load %arg7[%swap3A_142, %swap3A_143] {strides = array<i32>} : memref<256x128xf32, #tpu.memory_space<vmem>>, vector<1x16xf32>,
      %swap3A_145 = vector.shape_cast %swap3A_144 : vector<1x16xf32> to vector<16xf32>
      %swap3A_146 = vector.shape_cast %add3A_141 : vector<16xf32> to vector<1x16xf32>
      tpu.vector_store %arg7[%swap3A_142, %swap3A_143], %swap3A_146 {strides = array<i32>} : memref<256x128xf32, #tpu.memory_space<vmem>>, vector<1x16xf32>,
      %get3A_147 = arith.index_cast %scan3A_92 : i32 to index
      %get3A_148 = arith.constant 64 : index
      %get3A_149 = tpu.vector_load %arg7[%get3A_147, %get3A_148] {strides = array<i32>} : memref<256x128xf32, #tpu.memory_space<vmem>>, vector<1x16xf32>,
      %get3A_150 = vector.shape_cast %get3A_149 : vector<1x16xf32> to vector<16xf32>
      %get3A_151 = arith.index_cast %scan3A_92 : i32 to index
      %get3A_152 = arith.constant 64 : index
      %get3A_153 = tpu.vector_load %arg8[%get3A_151, %get3A_152] {strides = array<i32>} : memref<256x128xf32, #tpu.memory_space<vmem>>, vector<1x16xf32>,
      %get3A_154 = vector.shape_cast %get3A_153 : vector<1x16xf32> to vector<16xf32>
      %add3A_155 = arith.addf %get3A_150, %get3A_154 : vector<16xf32>
      %swap3A_156 = arith.index_cast %scan3A_92 : i32 to index
      %swap3A_157 = arith.constant 64 : index
      %swap3A_158 = tpu.vector_load %arg7[%swap3A_156, %swap3A_157] {strides = array<i32>} : memref<256x128xf32, #tpu.memory_space<vmem>>, vector<1x16xf32>,
      %swap3A_159 = vector.shape_cast %swap3A_158 : vector<1x16xf32> to vector<16xf32>
      %swap3A_160 = vector.shape_cast %add3A_155 : vector<16xf32> to vector<1x16xf32>
      tpu.vector_store %arg7[%swap3A_156, %swap3A_157], %swap3A_160 {strides = array<i32>} : memref<256x128xf32, #tpu.memory_space<vmem>>, vector<1x16xf32>,
      %get3A_161 = arith.index_cast %scan3A_92 : i32 to index
      %get3A_162 = arith.constant 80 : index
      %get3A_163 = tpu.vector_load %arg7[%get3A_161, %get3A_162] {strides = array<i32>} : memref<256x128xf32, #tpu.memory_space<vmem>>, vector<1x16xf32>,
      %get3A_164 = vector.shape_cast %get3A_163 : vector<1x16xf32> to vector<16xf32>
      %get3A_165 = arith.index_cast %scan3A_92 : i32 to index
      %get3A_166 = arith.constant 80 : index
      %get3A_167 = tpu.vector_load %arg8[%get3A_165, %get3A_166] {strides = array<i32>} : memref<256x128xf32, #tpu.memory_space<vmem>>, vector<1x16xf32>,
      %get3A_168 = vector.shape_cast %get3A_167 : vector<1x16xf32> to vector<16xf32>
      %add3A_169 = arith.addf %get3A_164, %get3A_168 : vector<16xf32>
      %swap3A_170 = arith.index_cast %scan3A_92 : i32 to index
      %swap3A_171 = arith.constant 80 : index
      %swap3A_172 = tpu.vector_load %arg7[%swap3A_170, %swap3A_171] {strides = array<i32>} : memref<256x128xf32, #tpu.memory_space<vmem>>, vector<1x16xf32>,
      %swap3A_173 = vector.shape_cast %swap3A_172 : vector<1x16xf32> to vector<16xf32>
      %swap3A_174 = vector.shape_cast %add3A_169 : vector<16xf32> to vector<1x16xf32>
      tpu.vector_store %arg7[%swap3A_170, %swap3A_171], %swap3A_174 {strides = array<i32>} : memref<256x128xf32, #tpu.memory_space<vmem>>, vector<1x16xf32>,
      %get3A_175 = arith.index_cast %scan3A_92 : i32 to index
      %get3A_176 = arith.constant 96 : index
      %get3A_177 = tpu.vector_load %arg7[%get3A_175, %get3A_176] {strides = array<i32>} : memref<256x128xf32, #tpu.memory_space<vmem>>, vector<1x16xf32>,
      %get3A_178 = vector.shape_cast %get3A_177 : vector<1x16xf32> to vector<16xf32>
      %get3A_179 = arith.index_cast %scan3A_92 : i32 to index
      %get3A_180 = arith.constant 96 : index
      %get3A_181 = tpu.vector_load %arg8[%get3A_179, %get3A_180] {strides = array<i32>} : memref<256x128xf32, #tpu.memory_space<vmem>>, vector<1x16xf32>,
      %get3A_182 = vector.shape_cast %get3A_181 : vector<1x16xf32> to vector<16xf32>
      %add3A_183 = arith.addf %get3A_178, %get3A_182 : vector<16xf32>
      %swap3A_184 = arith.index_cast %scan3A_92 : i32 to index
      %swap3A_185 = arith.constant 96 : index
      %swap3A_186 = tpu.vector_load %arg7[%swap3A_184, %swap3A_185] {strides = array<i32>} : memref<256x128xf32, #tpu.memory_space<vmem>>, vector<1x16xf32>,
      %swap3A_187 = vector.shape_cast %swap3A_186 : vector<1x16xf32> to vector<16xf32>
      %swap3A_188 = vector.shape_cast %add3A_183 : vector<16xf32> to vector<1x16xf32>
      tpu.vector_store %arg7[%swap3A_184, %swap3A_185], %swap3A_188 {strides = array<i32>} : memref<256x128xf32, #tpu.memory_space<vmem>>, vector<1x16xf32>,
      %get3A_189 = arith.index_cast %scan3A_92 : i32 to index
      %get3A_190 = arith.constant 112 : index
      %get3A_191 = tpu.vector_load %arg7[%get3A_189, %get3A_190] {strides = array<i32>} : memref<256x128xf32, #tpu.memory_space<vmem>>, vector<1x16xf32>,
      %get3A_192 = vector.shape_cast %get3A_191 : vector<1x16xf32> to vector<16xf32>
      %get3A_193 = arith.index_cast %scan3A_92 : i32 to index
      %get3A_194 = arith.constant 112 : index
      %get3A_195 = tpu.vector_load %arg8[%get3A_193, %get3A_194] {strides = array<i32>} : memref<256x128xf32, #tpu.memory_space<vmem>>, vector<1x16xf32>,
      %get3A_196 = vector.shape_cast %get3A_195 : vector<1x16xf32> to vector<16xf32>
      %add3A_197 = arith.addf %get3A_192, %get3A_196 : vector<16xf32>
      %swap3A_198 = arith.index_cast %scan3A_92 : i32 to index
      %swap3A_199 = arith.constant 112 : index
      %swap3A_200 = tpu.vector_load %arg7[%swap3A_198, %swap3A_199] {strides = array<i32>} : memref<256x128xf32, #tpu.memory_space<vmem>>, vector<1x16xf32>,
      %swap3A_201 = vector.shape_cast %swap3A_200 : vector<1x16xf32> to vector<16xf32>
      %swap3A_202 = vector.shape_cast %add3A_197 : vector<16xf32> to vector<1x16xf32>
      tpu.vector_store %arg7[%swap3A_198, %swap3A_199], %swap3A_202 {strides = array<i32>} : memref<256x128xf32, #tpu.memory_space<vmem>>, vector<1x16xf32>,
    }
    %scan3A_89 = arith.constant 256 : i32
    %mul3A_90 = arith.constant 256 : i32
    %mul3A_91 = arith.muli %add3A, %mul3A_90 : i32
    "tpu.region"() ({
      %run_scoped3A = tpu.sem_alloc : memref<!tpu.dma_semaphore, #tpu.memory_space<semaphore_mem>>
      %dma_start3A_92 = arith.constant 0 : i32
      %dma_start3A_93 = tpu.memref_slice %arg4[%mul3A_91, %dma_start3A_92] : memref<8192x128xf32, #tpu.memory_space<hbm>> -> memref<256x128xf32, #tpu.memory_space<hbm>>
      %dma_start3A_94 = arith.constant 0 : i32
      %dma_start3A_95 = tpu.memref_slice %arg4[%mul3A_91, %dma_start3A_94] : memref<8192x128xf32, #tpu.memory_space<hbm>> -> memref<256x128xf32, #tpu.memory_space<hbm>>
      tpu.enqueue_dma source(%arg7 : memref<256x128xf32, #tpu.memory_space<vmem>>) target(%dma_start3A_95 : memref<256x128xf32, #tpu.memory_space<hbm>>) target_semaphore(%run_scoped3A : memref<!tpu.dma_semaphore, #tpu.memory_space<semaphore_mem>>)
      %dma_wait3A_96 = arith.constant 0 : i32
      %dma_wait3A_97 = tpu.memref_slice %arg4[%mul3A_91, %dma_wait3A_96] : memref<8192x128xf32, #tpu.memory_space<hbm>> -> memref<256x128xf32, #tpu.memory_space<hbm>>
      %dma_wait3A_98 = arith.constant 0 : i32
      %dma_wait3A_99 = tpu.memref_slice %arg4[%mul3A_91, %dma_wait3A_98] : memref<8192x128xf32, #tpu.memory_space<hbm>> -> memref<256x128xf32, #tpu.memory_space<hbm>>
      tpu.wait_dma2 semaphore(%run_scoped3A : memref<!tpu.dma_semaphore, #tpu.memory_space<semaphore_mem>>) src(%arg7 : memref<256x128xf32, #tpu.memory_space<vmem>>) dst(%dma_wait3A_99 : memref<256x128xf32, #tpu.memory_space<hbm>>)
      tpu.yield
    }) : () -> ()
    return
  }
}

#map = affine_map<(d0, d1) -> (0, 0)>
module attributes {stable_mosaic.version = 14 : i64} {
  func.func @_sc_gather(%arg0: i32, %arg1: i32, %arg2: memref<8192x128xf32, #tpu.memory_space<hbm>>, %arg3: memref<128x128xi32, #tpu.memory_space<hbm>>, %arg4: memref<16384x128xf32, #tpu.memory_space<hbm>>, %arg5: memref<4x128xi32, #tpu.memory_space<vmem>>, %arg6: memref<512x128xf32, #tpu.memory_space<vmem>>, %arg7: memref<!tpu.dma_semaphore, #tpu.memory_space<semaphore_mem>>) attributes {dimension_semantics = [#tpu.dimension_semantics<core_parallel>, #tpu.dimension_semantics<subcore_parallel>], iteration_bounds = array<i64: 2, 16>, scalar_prefetch = 0 : i64, scratch_operands = 3 : i64, tpu.core_type = #tpu.core_type<sc_vector_subcore>, window_params = [{transform_indices = #map}, {transform_indices = #map}, {transform_indices = #map}]} {
    %mul3A = arith.constant 2 : i32
    %mul3A_0 = arith.muli %arg1, %mul3A : i32
    %add3A = arith.addi %mul3A_0, %arg0 : i32
    %mul3A_1 = arith.constant 4 : i32
    %mul3A_2 = arith.muli %add3A, %mul3A_1 : i32
    "tpu.region"() ({
      %run_scoped3A = tpu.sem_alloc : memref<!tpu.dma_semaphore, #tpu.memory_space<semaphore_mem>>
      %dma_start3A_83 = arith.constant 0 : i32
      %dma_start3A_84 = tpu.memref_slice %arg3[%mul3A_2, %dma_start3A_83] : memref<128x128xi32, #tpu.memory_space<hbm>> -> memref<4x128xi32, #tpu.memory_space<hbm>>
      %dma_start3A_85 = arith.constant 0 : i32
      %dma_start3A_86 = tpu.memref_slice %arg3[%mul3A_2, %dma_start3A_85] : memref<128x128xi32, #tpu.memory_space<hbm>> -> memref<4x128xi32, #tpu.memory_space<hbm>>
      tpu.enqueue_dma source(%dma_start3A_86 : memref<4x128xi32, #tpu.memory_space<hbm>>) target(%arg5 : memref<4x128xi32, #tpu.memory_space<vmem>>) target_semaphore(%run_scoped3A : memref<!tpu.dma_semaphore, #tpu.memory_space<semaphore_mem>>)
      %dma_wait3A_87 = arith.constant 0 : i32
      %dma_wait3A_88 = tpu.memref_slice %arg3[%mul3A_2, %dma_wait3A_87] : memref<128x128xi32, #tpu.memory_space<hbm>> -> memref<4x128xi32, #tpu.memory_space<hbm>>
      %dma_wait3A_89 = arith.constant 0 : i32
      %dma_wait3A_90 = tpu.memref_slice %arg3[%mul3A_2, %dma_wait3A_89] : memref<128x128xi32, #tpu.memory_space<hbm>> -> memref<4x128xi32, #tpu.memory_space<hbm>>
      tpu.wait_dma2 semaphore(%run_scoped3A : memref<!tpu.dma_semaphore, #tpu.memory_space<semaphore_mem>>) src(%dma_wait3A_90 : memref<4x128xi32, #tpu.memory_space<hbm>>) dst(%arg5 : memref<4x128xi32, #tpu.memory_space<vmem>>)
      tpu.yield
    }) : () -> ()
    %dma_start3A = arith.constant 0 : i32
    %dma_start3A_3 = arith.constant 0 : i32
    %dma_start3A_4 = arith.constant 0 : i32
    %dma_start3A_5 = tpu.memref_slice %arg6[%dma_start3A_3, %dma_start3A_4] : memref<512x128xf32, #tpu.memory_space<vmem>> -> memref<128x128xf32, #tpu.memory_space<vmem>>
    %dma_start3A_6 = arith.constant 0 : i32
    %dma_start3A_7 = tpu.memref_slice %arg5[%dma_start3A, %dma_start3A_6] : memref<4x128xi32, #tpu.memory_space<vmem>> -> memref<1x128xi32, #tpu.memory_space<vmem>>
    %dma_start3A_8 = tpu.memref_squeeze %dma_start3A_7 : memref<1x128xi32, #tpu.memory_space<vmem>> -> memref<128xi32, #tpu.memory_space<vmem>>
    %dma_start3A_9 = arith.constant 0 : i32
    %dma_start3A_10 = arith.constant 0 : i32
    %dma_start3A_11 = tpu.memref_slice %arg2[%dma_start3A_9, %dma_start3A_10] : memref<8192x128xf32, #tpu.memory_space<hbm>> -> memref<8192x128xf32, #tpu.memory_space<hbm>>
    tpu.enqueue_indirect_dma source(%dma_start3A_11 : memref<8192x128xf32, #tpu.memory_space<hbm>>) target(%dma_start3A_5 : memref<128x128xf32, #tpu.memory_space<vmem>>) offsets(%dma_start3A_8 : memref<128xi32, #tpu.memory_space<vmem>>) semaphore(%arg7 : memref<!tpu.dma_semaphore, #tpu.memory_space<semaphore_mem>>)
    %dma_start3A_12 = arith.constant 1 : i32
    %dma_start3A_13 = arith.constant 128 : i32
    %dma_start3A_14 = arith.constant 0 : i32
    %dma_start3A_15 = tpu.memref_slice %arg6[%dma_start3A_13, %dma_start3A_14] : memref<512x128xf32, #tpu.memory_space<vmem>> -> memref<128x128xf32, #tpu.memory_space<vmem>>
    %dma_start3A_16 = arith.constant 0 : i32
    %dma_start3A_17 = tpu.memref_slice %arg5[%dma_start3A_12, %dma_start3A_16] : memref<4x128xi32, #tpu.memory_space<vmem>> -> memref<1x128xi32, #tpu.memory_space<vmem>>
    %dma_start3A_18 = tpu.memref_squeeze %dma_start3A_17 : memref<1x128xi32, #tpu.memory_space<vmem>> -> memref<128xi32, #tpu.memory_space<vmem>>
    %dma_start3A_19 = arith.constant 0 : i32
    %dma_start3A_20 = arith.constant 0 : i32
    %dma_start3A_21 = tpu.memref_slice %arg2[%dma_start3A_19, %dma_start3A_20] : memref<8192x128xf32, #tpu.memory_space<hbm>> -> memref<8192x128xf32, #tpu.memory_space<hbm>>
    tpu.enqueue_indirect_dma source(%dma_start3A_21 : memref<8192x128xf32, #tpu.memory_space<hbm>>) target(%dma_start3A_15 : memref<128x128xf32, #tpu.memory_space<vmem>>) offsets(%dma_start3A_18 : memref<128xi32, #tpu.memory_space<vmem>>) semaphore(%arg7 : memref<!tpu.dma_semaphore, #tpu.memory_space<semaphore_mem>>)
    %dma_start3A_22 = arith.constant 2 : i32
    %dma_start3A_23 = arith.constant 256 : i32
    %dma_start3A_24 = arith.constant 0 : i32
    %dma_start3A_25 = tpu.memref_slice %arg6[%dma_start3A_23, %dma_start3A_24] : memref<512x128xf32, #tpu.memory_space<vmem>> -> memref<128x128xf32, #tpu.memory_space<vmem>>
    %dma_start3A_26 = arith.constant 0 : i32
    %dma_start3A_27 = tpu.memref_slice %arg5[%dma_start3A_22, %dma_start3A_26] : memref<4x128xi32, #tpu.memory_space<vmem>> -> memref<1x128xi32, #tpu.memory_space<vmem>>
    %dma_start3A_28 = tpu.memref_squeeze %dma_start3A_27 : memref<1x128xi32, #tpu.memory_space<vmem>> -> memref<128xi32, #tpu.memory_space<vmem>>
    %dma_start3A_29 = arith.constant 0 : i32
    %dma_start3A_30 = arith.constant 0 : i32
    %dma_start3A_31 = tpu.memref_slice %arg2[%dma_start3A_29, %dma_start3A_30] : memref<8192x128xf32, #tpu.memory_space<hbm>> -> memref<8192x128xf32, #tpu.memory_space<hbm>>
    tpu.enqueue_indirect_dma source(%dma_start3A_31 : memref<8192x128xf32, #tpu.memory_space<hbm>>) target(%dma_start3A_25 : memref<128x128xf32, #tpu.memory_space<vmem>>) offsets(%dma_start3A_28 : memref<128xi32, #tpu.memory_space<vmem>>) semaphore(%arg7 : memref<!tpu.dma_semaphore, #tpu.memory_space<semaphore_mem>>)
    %dma_start3A_32 = arith.constant 3 : i32
    %dma_start3A_33 = arith.constant 384 : i32
    %dma_start3A_34 = arith.constant 0 : i32
    %dma_start3A_35 = tpu.memref_slice %arg6[%dma_start3A_33, %dma_start3A_34] : memref<512x128xf32, #tpu.memory_space<vmem>> -> memref<128x128xf32, #tpu.memory_space<vmem>>
    %dma_start3A_36 = arith.constant 0 : i32
    %dma_start3A_37 = tpu.memref_slice %arg5[%dma_start3A_32, %dma_start3A_36] : memref<4x128xi32, #tpu.memory_space<vmem>> -> memref<1x128xi32, #tpu.memory_space<vmem>>
    %dma_start3A_38 = tpu.memref_squeeze %dma_start3A_37 : memref<1x128xi32, #tpu.memory_space<vmem>> -> memref<128xi32, #tpu.memory_space<vmem>>
    %dma_start3A_39 = arith.constant 0 : i32
    %dma_start3A_40 = arith.constant 0 : i32
    %dma_start3A_41 = tpu.memref_slice %arg2[%dma_start3A_39, %dma_start3A_40] : memref<8192x128xf32, #tpu.memory_space<hbm>> -> memref<8192x128xf32, #tpu.memory_space<hbm>>
    tpu.enqueue_indirect_dma source(%dma_start3A_41 : memref<8192x128xf32, #tpu.memory_space<hbm>>) target(%dma_start3A_35 : memref<128x128xf32, #tpu.memory_space<vmem>>) offsets(%dma_start3A_38 : memref<128xi32, #tpu.memory_space<vmem>>) semaphore(%arg7 : memref<!tpu.dma_semaphore, #tpu.memory_space<semaphore_mem>>)
    %dma_wait3A = arith.constant 0 : i32
    %dma_wait3A_42 = arith.constant 0 : i32
    %dma_wait3A_43 = arith.constant 0 : i32
    %dma_wait3A_44 = tpu.memref_slice %arg6[%dma_wait3A_42, %dma_wait3A_43] : memref<512x128xf32, #tpu.memory_space<vmem>> -> memref<128x128xf32, #tpu.memory_space<vmem>>
    %dma_wait3A_45 = arith.constant 0 : i32
    %dma_wait3A_46 = tpu.memref_slice %arg5[%dma_wait3A, %dma_wait3A_45] : memref<4x128xi32, #tpu.memory_space<vmem>> -> memref<1x128xi32, #tpu.memory_space<vmem>>
    %dma_wait3A_47 = tpu.memref_squeeze %dma_wait3A_46 : memref<1x128xi32, #tpu.memory_space<vmem>> -> memref<128xi32, #tpu.memory_space<vmem>>
    %dma_wait3A_48 = arith.constant 0 : i32
    %dma_wait3A_49 = arith.constant 0 : i32
    %dma_wait3A_50 = tpu.memref_slice %arg2[%dma_wait3A_48, %dma_wait3A_49] : memref<8192x128xf32, #tpu.memory_space<hbm>> -> memref<8192x128xf32, #tpu.memory_space<hbm>>
    tpu.wait_indirect_dma semaphore(%arg7 : memref<!tpu.dma_semaphore, #tpu.memory_space<semaphore_mem>>) src(%dma_wait3A_50 : memref<8192x128xf32, #tpu.memory_space<hbm>>) dst(%dma_wait3A_44 : memref<128x128xf32, #tpu.memory_space<vmem>>)
    %dma_wait3A_51 = arith.constant 1 : i32
    %dma_wait3A_52 = arith.constant 128 : i32
    %dma_wait3A_53 = arith.constant 0 : i32
    %dma_wait3A_54 = tpu.memref_slice %arg6[%dma_wait3A_52, %dma_wait3A_53] : memref<512x128xf32, #tpu.memory_space<vmem>> -> memref<128x128xf32, #tpu.memory_space<vmem>>
    %dma_wait3A_55 = arith.constant 0 : i32
    %dma_wait3A_56 = tpu.memref_slice %arg5[%dma_wait3A_51, %dma_wait3A_55] : memref<4x128xi32, #tpu.memory_space<vmem>> -> memref<1x128xi32, #tpu.memory_space<vmem>>
    %dma_wait3A_57 = tpu.memref_squeeze %dma_wait3A_56 : memref<1x128xi32, #tpu.memory_space<vmem>> -> memref<128xi32, #tpu.memory_space<vmem>>
    %dma_wait3A_58 = arith.constant 0 : i32
    %dma_wait3A_59 = arith.constant 0 : i32
    %dma_wait3A_60 = tpu.memref_slice %arg2[%dma_wait3A_58, %dma_wait3A_59] : memref<8192x128xf32, #tpu.memory_space<hbm>> -> memref<8192x128xf32, #tpu.memory_space<hbm>>
    tpu.wait_indirect_dma semaphore(%arg7 : memref<!tpu.dma_semaphore, #tpu.memory_space<semaphore_mem>>) src(%dma_wait3A_60 : memref<8192x128xf32, #tpu.memory_space<hbm>>) dst(%dma_wait3A_54 : memref<128x128xf32, #tpu.memory_space<vmem>>)
    %dma_wait3A_61 = arith.constant 2 : i32
    %dma_wait3A_62 = arith.constant 256 : i32
    %dma_wait3A_63 = arith.constant 0 : i32
    %dma_wait3A_64 = tpu.memref_slice %arg6[%dma_wait3A_62, %dma_wait3A_63] : memref<512x128xf32, #tpu.memory_space<vmem>> -> memref<128x128xf32, #tpu.memory_space<vmem>>
    %dma_wait3A_65 = arith.constant 0 : i32
    %dma_wait3A_66 = tpu.memref_slice %arg5[%dma_wait3A_61, %dma_wait3A_65] : memref<4x128xi32, #tpu.memory_space<vmem>> -> memref<1x128xi32, #tpu.memory_space<vmem>>
    %dma_wait3A_67 = tpu.memref_squeeze %dma_wait3A_66 : memref<1x128xi32, #tpu.memory_space<vmem>> -> memref<128xi32, #tpu.memory_space<vmem>>
    %dma_wait3A_68 = arith.constant 0 : i32
    %dma_wait3A_69 = arith.constant 0 : i32
    %dma_wait3A_70 = tpu.memref_slice %arg2[%dma_wait3A_68, %dma_wait3A_69] : memref<8192x128xf32, #tpu.memory_space<hbm>> -> memref<8192x128xf32, #tpu.memory_space<hbm>>
    tpu.wait_indirect_dma semaphore(%arg7 : memref<!tpu.dma_semaphore, #tpu.memory_space<semaphore_mem>>) src(%dma_wait3A_70 : memref<8192x128xf32, #tpu.memory_space<hbm>>) dst(%dma_wait3A_64 : memref<128x128xf32, #tpu.memory_space<vmem>>)
    %dma_wait3A_71 = arith.constant 3 : i32
    %dma_wait3A_72 = arith.constant 384 : i32
    %dma_wait3A_73 = arith.constant 0 : i32
    %dma_wait3A_74 = tpu.memref_slice %arg6[%dma_wait3A_72, %dma_wait3A_73] : memref<512x128xf32, #tpu.memory_space<vmem>> -> memref<128x128xf32, #tpu.memory_space<vmem>>
    %dma_wait3A_75 = arith.constant 0 : i32
    %dma_wait3A_76 = tpu.memref_slice %arg5[%dma_wait3A_71, %dma_wait3A_75] : memref<4x128xi32, #tpu.memory_space<vmem>> -> memref<1x128xi32, #tpu.memory_space<vmem>>
    %dma_wait3A_77 = tpu.memref_squeeze %dma_wait3A_76 : memref<1x128xi32, #tpu.memory_space<vmem>> -> memref<128xi32, #tpu.memory_space<vmem>>
    %dma_wait3A_78 = arith.constant 0 : i32
    %dma_wait3A_79 = arith.constant 0 : i32
    %dma_wait3A_80 = tpu.memref_slice %arg2[%dma_wait3A_78, %dma_wait3A_79] : memref<8192x128xf32, #tpu.memory_space<hbm>> -> memref<8192x128xf32, #tpu.memory_space<hbm>>
    tpu.wait_indirect_dma semaphore(%arg7 : memref<!tpu.dma_semaphore, #tpu.memory_space<semaphore_mem>>) src(%dma_wait3A_80 : memref<8192x128xf32, #tpu.memory_space<hbm>>) dst(%dma_wait3A_74 : memref<128x128xf32, #tpu.memory_space<vmem>>)
    %mul3A_81 = arith.constant 512 : i32
    %mul3A_82 = arith.muli %add3A, %mul3A_81 : i32
    "tpu.region"() ({
      %run_scoped3A = tpu.sem_alloc : memref<!tpu.dma_semaphore, #tpu.memory_space<semaphore_mem>>
      %dma_start3A_83 = arith.constant 0 : i32
      %dma_start3A_84 = tpu.memref_slice %arg4[%mul3A_82, %dma_start3A_83] : memref<16384x128xf32, #tpu.memory_space<hbm>> -> memref<512x128xf32, #tpu.memory_space<hbm>>
      %dma_start3A_85 = arith.constant 0 : i32
      %dma_start3A_86 = tpu.memref_slice %arg4[%mul3A_82, %dma_start3A_85] : memref<16384x128xf32, #tpu.memory_space<hbm>> -> memref<512x128xf32, #tpu.memory_space<hbm>>
      tpu.enqueue_dma source(%arg6 : memref<512x128xf32, #tpu.memory_space<vmem>>) target(%dma_start3A_86 : memref<512x128xf32, #tpu.memory_space<hbm>>) target_semaphore(%run_scoped3A : memref<!tpu.dma_semaphore, #tpu.memory_space<semaphore_mem>>)
      %dma_wait3A_87 = arith.constant 0 : i32
      %dma_wait3A_88 = tpu.memref_slice %arg4[%mul3A_82, %dma_wait3A_87] : memref<16384x128xf32, #tpu.memory_space<hbm>> -> memref<512x128xf32, #tpu.memory_space<hbm>>
      %dma_wait3A_89 = arith.constant 0 : i32
      %dma_wait3A_90 = tpu.memref_slice %arg4[%mul3A_82, %dma_wait3A_89] : memref<16384x128xf32, #tpu.memory_space<hbm>> -> memref<512x128xf32, #tpu.memory_space<hbm>>
      tpu.wait_dma2 semaphore(%run_scoped3A : memref<!tpu.dma_semaphore, #tpu.memory_space<semaphore_mem>>) src(%arg6 : memref<512x128xf32, #tpu.memory_space<vmem>>) dst(%dma_wait3A_90 : memref<512x128xf32, #tpu.memory_space<hbm>>)
      tpu.yield
    }) : () -> ()
    return
  }
}

module attributes {stable_mosaic.version = 14 : i64} {
  func.func @_attn_block(%arg0: i32, %arg1: i32, %arg2: memref<1x1x128x128xf32, #tpu.memory_space<vmem>>, %arg3: memref<64x512xbf16, #tpu.memory_space<vmem>>, %arg4: memref<64x512xbf16, #tpu.memory_space<vmem>>, %arg5: memref<64x512xbf16, #tpu.memory_space<vmem>>, %arg6: memref<512x128xbf16, #tpu.memory_space<vmem>>, %arg7: memref<1x64xf32, #tpu.memory_space<vmem>>, %arg8: memref<1x64xf32, #tpu.memory_space<vmem>>, %arg9: memref<648x1024xbf16, #tpu.memory_space<vmem>>, %arg10: memref<1x1x128x128xf32, #tpu.memory_space<vmem>>) attributes {dimension_semantics = [#tpu.dimension_semantics<parallel>, #tpu.dimension_semantics<parallel>], iteration_bounds = array<i64: 2, 64>, scalar_prefetch = 0 : i64, scratch_operands = 0 : i64, tpu.core_type = #tpu.core_type<tc>, window_params = [{transform_indices = @transform_0, window_bounds = array<i64: 1, 1, 128, 128>}, {pipeline_mode = #tpu.pipeline_mode<synchronous>, transform_indices = @transform_1, window_bounds = array<i64: 64, 512>}, {pipeline_mode = #tpu.pipeline_mode<synchronous>, transform_indices = @transform_2, window_bounds = array<i64: 64, 512>}, {pipeline_mode = #tpu.pipeline_mode<synchronous>, transform_indices = @transform_3, window_bounds = array<i64: 64, 512>}, {pipeline_mode = #tpu.pipeline_mode<synchronous>, transform_indices = @transform_4, window_bounds = array<i64: 512, 128>}, {pipeline_mode = #tpu.pipeline_mode<synchronous>, transform_indices = @transform_5, window_bounds = array<i64: 1, 64>}, {pipeline_mode = #tpu.pipeline_mode<synchronous>, transform_indices = @transform_6, window_bounds = array<i64: 1, 64>}, {pipeline_mode = #tpu.pipeline_mode<synchronous>, transform_indices = @transform_7, window_bounds = array<i64: 648, 1024>}, {transform_indices = @transform_8, window_bounds = array<i64: 1, 1, 128, 128>}]} {
    %get3A = arith.constant 0 : index
    %get3A_0 = arith.constant 0 : index
    %get3A_1 = arith.constant 0 : index
    %get3A_2 = arith.constant 0 : index
    %get3A_3 = vector.load %arg2[%get3A, %get3A_0, %get3A_1, %get3A_2] : memref<1x1x128x128xf32, #tpu.memory_space<vmem>>, vector<1x1x128x128xf32>
    %get3A_4 = vector.shape_cast %get3A_3 : vector<1x1x128x128xf32> to vector<128x128xf32>
    %slice3A = vector.extract_strided_slice %get3A_4 {offsets = [0, 0], sizes = [128, 64], strides = [1, 1]} : vector<128x128xf32> to vector<128x64xf32>
    %slice3A_5 = vector.extract_strided_slice %get3A_4 {offsets = [0, 64], sizes = [128, 8], strides = [1, 1]} : vector<128x128xf32> to vector<128x8xf32>
    %reduce_sum3A = arith.constant dense<0.000000e+00> : vector<128xf32>
    %reduce_sum3A_6 = vector.multi_reduction <add>, %slice3A, %reduce_sum3A [1] : vector<128x64xf32> to vector<128xf32>
    %broadcast_in_dim3A = vector.shape_cast %reduce_sum3A_6 : vector<128xf32> to vector<128x1xf32>
    %div3A = arith.constant 6.400000e+01 : f32
    %div3A_7 = vector.broadcast %div3A : f32 to vector<128x1xf32>
    %div3A_8 = arith.divf %broadcast_in_dim3A, %div3A_7 : vector<128x1xf32>
    %sub3A = vector.broadcast %div3A_8 : vector<128x1xf32> to vector<128x64xf32>
    %sub3A_9 = arith.subf %slice3A, %sub3A : vector<128x64xf32>
    %mul3A = arith.mulf %sub3A_9, %sub3A_9 : vector<128x64xf32>
    %reduce_sum3A_10 = arith.constant dense<0.000000e+00> : vector<128xf32>
    %reduce_sum3A_11 = vector.multi_reduction <add>, %mul3A, %reduce_sum3A_10 [1] : vector<128x64xf32> to vector<128xf32>
    %broadcast_in_dim3A_12 = vector.shape_cast %reduce_sum3A_11 : vector<128xf32> to vector<128x1xf32>
    %div3A_13 = arith.constant 6.400000e+01 : f32
    %div3A_14 = vector.broadcast %div3A_13 : f32 to vector<128x1xf32>
    %div3A_15 = arith.divf %broadcast_in_dim3A_12, %div3A_14 : vector<128x1xf32>
    %add3A = arith.constant 9.99999974E-6 : f32
    %add3A_16 = vector.broadcast %add3A : f32 to vector<128x1xf32>
    %add3A_17 = arith.addf %div3A_15, %add3A_16 : vector<128x1xf32>
    %rsqrt3A = math.rsqrt %add3A_17 : vector<128x1xf32>
    %mul3A_18 = vector.broadcast %rsqrt3A : vector<128x1xf32> to vector<128x64xf32>
    %mul3A_19 = arith.mulf %sub3A_9, %mul3A_18 : vector<128x64xf32>
    %get3A_20 = arith.constant 0 : index
    %get3A_21 = arith.constant 0 : index
    %get3A_22 = vector.load %arg7[%get3A_20, %get3A_21] : memref<1x64xf32, #tpu.memory_space<vmem>>, vector<1x64xf32>
    %mul3A_23 = vector.broadcast %get3A_22 : vector<1x64xf32> to vector<128x64xf32>
    %mul3A_24 = arith.mulf %mul3A_19, %mul3A_23 : vector<128x64xf32>
    %get3A_25 = arith.constant 0 : index
    %get3A_26 = arith.constant 0 : index
    %get3A_27 = vector.load %arg8[%get3A_25, %get3A_26] : memref<1x64xf32, #tpu.memory_space<vmem>>, vector<1x64xf32>
    %add3A_28 = vector.broadcast %get3A_27 : vector<1x64xf32> to vector<128x64xf32>
    %add3A_29 = arith.addf %mul3A_24, %add3A_28 : vector<128x64xf32>
    %convert_element_type3A = arith.truncf %add3A_29 : vector<128x64xf32> to vector<128x64xbf16>
    %get3A_30 = arith.constant 0 : index
    %get3A_31 = arith.constant 0 : index
    %get3A_32 = vector.load %arg3[%get3A_30, %get3A_31] : memref<64x512xbf16, #tpu.memory_space<vmem>>, vector<64x512xbf16>
    %dot_general3A = arith.constant dense<0.000000e+00> : vector<128x512xf32>
    %dot_general3A_33 = tpu.matmul %convert_element_type3A, %get3A_32, %dot_general3A {dimension_numbers = #tpu.dot_dimension_numbers<[1], [0], [0], [1], [0, 0, 1, 1], [], []>, transpose_lhs_hint = false} : vector<128x64xbf16>, vector<64x512xbf16>, vector<128x512xf32> -> vector<128x512xf32>
    %convert_element_type3A_34 = arith.truncf %dot_general3A_33 : vector<128x512xf32> to vector<128x512xbf16>
    %get3A_35 = arith.constant 0 : index
    %get3A_36 = arith.constant 0 : index
    %get3A_37 = vector.load %arg4[%get3A_35, %get3A_36] : memref<64x512xbf16, #tpu.memory_space<vmem>>, vector<64x512xbf16>
    %dot_general3A_38 = arith.constant dense<0.000000e+00> : vector<128x512xf32>
    %dot_general3A_39 = tpu.matmul %convert_element_type3A, %get3A_37, %dot_general3A_38 {dimension_numbers = #tpu.dot_dimension_numbers<[1], [0], [0], [1], [0, 0, 1, 1], [], []>, transpose_lhs_hint = false} : vector<128x64xbf16>, vector<64x512xbf16>, vector<128x512xf32> -> vector<128x512xf32>
    %convert_element_type3A_40 = arith.truncf %dot_general3A_39 : vector<128x512xf32> to vector<128x512xbf16>
    %get3A_41 = arith.constant 0 : index
    %get3A_42 = arith.constant 0 : index
    %get3A_43 = vector.load %arg5[%get3A_41, %get3A_42] : memref<64x512xbf16, #tpu.memory_space<vmem>>, vector<64x512xbf16>
    %dot_general3A_44 = arith.constant dense<0.000000e+00> : vector<128x512xf32>
    %dot_general3A_45 = tpu.matmul %convert_element_type3A, %get3A_43, %dot_general3A_44 {dimension_numbers = #tpu.dot_dimension_numbers<[1], [0], [0], [1], [0, 0, 1, 1], [], []>, transpose_lhs_hint = false} : vector<128x64xbf16>, vector<64x512xbf16>, vector<128x512xf32> -> vector<128x512xf32>
    %convert_element_type3A_46 = arith.truncf %dot_general3A_45 : vector<128x512xf32> to vector<128x512xbf16>
    %convert_element_type3A_47 = arith.truncf %slice3A_5 : vector<128x8xf32> to vector<128x8xbf16>
    %dot_general3A_48 = arith.constant dense<0.000000e+00> : vector<128x128xf32>
    %dot_general3A_49 = tpu.matmul %convert_element_type3A_47, %convert_element_type3A_47, %dot_general3A_48 {dimension_numbers = #tpu.dot_dimension_numbers<[1], [1], [0], [0], [0, 0, 1, 0], [], []>, transpose_lhs_hint = false} : vector<128x8xbf16>, vector<128x8xbf16>, vector<128x128xf32> -> vector<128x128xf32>
    %transpose3A = tpu.transpose %slice3A_5, [1, 0] : vector<128x8xf32> -> vector<8x128xf32>
    %slice3A_50 = vector.extract_strided_slice %slice3A_5 {offsets = [0, 0], sizes = [128, 1], strides = [1, 1]} : vector<128x8xf32> to vector<128x1xf32>
    %broadcast_in_dim3A_51 = vector.shape_cast %slice3A_50 : vector<128x1xf32> to vector<128x1xf32>
    %broadcast_in_dim3A_52 = vector.broadcast %broadcast_in_dim3A_51 : vector<128x1xf32> to vector<128x128xf32>
    %slice3A_53 = vector.extract_strided_slice %transpose3A {offsets = [0, 0], sizes = [1, 128], strides = [1, 1]} : vector<8x128xf32> to vector<1x128xf32>
    %broadcast_in_dim3A_54 = vector.shape_cast %slice3A_53 : vector<1x128xf32> to vector<1x128xf32>
    %broadcast_in_dim3A_55 = vector.broadcast %broadcast_in_dim3A_54 : vector<1x128xf32> to vector<128x128xf32>
    %sub3A_56 = arith.subf %broadcast_in_dim3A_52, %broadcast_in_dim3A_55 : vector<128x128xf32>
    %abs3A = math.absf %sub3A_56 : vector<128x128xf32>
    %convert_element_type3A_57 = arith.truncf %abs3A : vector<128x128xf32> to vector<128x128xbf16>
    %slice3A_58 = vector.extract_strided_slice %slice3A_5 {offsets = [0, 1], sizes = [128, 1], strides = [1, 1]} : vector<128x8xf32> to vector<128x1xf32>
    %broadcast_in_dim3A_59 = vector.shape_cast %slice3A_58 : vector<128x1xf32> to vector<128x1xf32>
    %broadcast_in_dim3A_60 = vector.broadcast %broadcast_in_dim3A_59 : vector<128x1xf32> to vector<128x128xf32>
    %slice3A_61 = vector.extract_strided_slice %transpose3A {offsets = [1, 0], sizes = [1, 128], strides = [1, 1]} : vector<8x128xf32> to vector<1x128xf32>
    %broadcast_in_dim3A_62 = vector.shape_cast %slice3A_61 : vector<1x128xf32> to vector<1x128xf32>
    %broadcast_in_dim3A_63 = vector.broadcast %broadcast_in_dim3A_62 : vector<1x128xf32> to vector<128x128xf32>
    %sub3A_64 = arith.subf %broadcast_in_dim3A_60, %broadcast_in_dim3A_63 : vector<128x128xf32>
    %abs3A_65 = math.absf %sub3A_64 : vector<128x128xf32>
    %convert_element_type3A_66 = arith.truncf %abs3A_65 : vector<128x128xf32> to vector<128x128xbf16>
    %slice3A_67 = vector.extract_strided_slice %slice3A_5 {offsets = [0, 2], sizes = [128, 1], strides = [1, 1]} : vector<128x8xf32> to vector<128x1xf32>
    %broadcast_in_dim3A_68 = vector.shape_cast %slice3A_67 : vector<128x1xf32> to vector<128x1xf32>
    %broadcast_in_dim3A_69 = vector.broadcast %broadcast_in_dim3A_68 : vector<128x1xf32> to vector<128x128xf32>
    %slice3A_70 = vector.extract_strided_slice %transpose3A {offsets = [2, 0], sizes = [1, 128], strides = [1, 1]} : vector<8x128xf32> to vector<1x128xf32>
    %broadcast_in_dim3A_71 = vector.shape_cast %slice3A_70 : vector<1x128xf32> to vector<1x128xf32>
    %broadcast_in_dim3A_72 = vector.broadcast %broadcast_in_dim3A_71 : vector<1x128xf32> to vector<128x128xf32>
    %sub3A_73 = arith.subf %broadcast_in_dim3A_69, %broadcast_in_dim3A_72 : vector<128x128xf32>
    %abs3A_74 = math.absf %sub3A_73 : vector<128x128xf32>
    %convert_element_type3A_75 = arith.truncf %abs3A_74 : vector<128x128xf32> to vector<128x128xbf16>
    %slice3A_76 = vector.extract_strided_slice %slice3A_5 {offsets = [0, 3], sizes = [128, 1], strides = [1, 1]} : vector<128x8xf32> to vector<128x1xf32>
    %broadcast_in_dim3A_77 = vector.shape_cast %slice3A_76 : vector<128x1xf32> to vector<128x1xf32>
    %broadcast_in_dim3A_78 = vector.broadcast %broadcast_in_dim3A_77 : vector<128x1xf32> to vector<128x128xf32>
    %slice3A_79 = vector.extract_strided_slice %transpose3A {offsets = [3, 0], sizes = [1, 128], strides = [1, 1]} : vector<8x128xf32> to vector<1x128xf32>
    %broadcast_in_dim3A_80 = vector.shape_cast %slice3A_79 : vector<1x128xf32> to vector<1x128xf32>
    %broadcast_in_dim3A_81 = vector.broadcast %broadcast_in_dim3A_80 : vector<1x128xf32> to vector<128x128xf32>
    %sub3A_82 = arith.subf %broadcast_in_dim3A_78, %broadcast_in_dim3A_81 : vector<128x128xf32>
    %abs3A_83 = math.absf %sub3A_82 : vector<128x128xf32>
    %convert_element_type3A_84 = arith.truncf %abs3A_83 : vector<128x128xf32> to vector<128x128xbf16>
    %slice3A_85 = vector.extract_strided_slice %slice3A_5 {offsets = [0, 4], sizes = [128, 1], strides = [1, 1]} : vector<128x8xf32> to vector<128x1xf32>
    %broadcast_in_dim3A_86 = vector.shape_cast %slice3A_85 : vector<128x1xf32> to vector<128x1xf32>
    %broadcast_in_dim3A_87 = vector.broadcast %broadcast_in_dim3A_86 : vector<128x1xf32> to vector<128x128xf32>
    %slice3A_88 = vector.extract_strided_slice %transpose3A {offsets = [4, 0], sizes = [1, 128], strides = [1, 1]} : vector<8x128xf32> to vector<1x128xf32>
    %broadcast_in_dim3A_89 = vector.shape_cast %slice3A_88 : vector<1x128xf32> to vector<1x128xf32>
    %broadcast_in_dim3A_90 = vector.broadcast %broadcast_in_dim3A_89 : vector<1x128xf32> to vector<128x128xf32>
    %sub3A_91 = arith.subf %broadcast_in_dim3A_87, %broadcast_in_dim3A_90 : vector<128x128xf32>
    %abs3A_92 = math.absf %sub3A_91 : vector<128x128xf32>
    %convert_element_type3A_93 = arith.truncf %abs3A_92 : vector<128x128xf32> to vector<128x128xbf16>
    %broadcast_in_dim3A_94 = arith.constant 1.000000e+00 : bf16
    %broadcast_in_dim3A_95 = vector.broadcast %broadcast_in_dim3A_94 : bf16 to vector<128x8xbf16>
    %concatenate3A = tpu.concatenate %convert_element_type3A_57, %convert_element_type3A_66, %convert_element_type3A_75, %convert_element_type3A_84, %convert_element_type3A_93, %broadcast_in_dim3A_95 in 1 : vector<128x128xbf16>, vector<128x128xbf16>, vector<128x128xbf16>, vector<128x128xbf16>, vector<128x128xbf16>, vector<128x8xbf16> -> vector<128x648xbf16>
    %get3A_96 = arith.constant 0 : index
    %get3A_97 = arith.constant 0 : index
    %get3A_98 = vector.load %arg9[%get3A_96, %get3A_97] : memref<648x1024xbf16, #tpu.memory_space<vmem>>, vector<648x1024xbf16>
    %dot_general3A_99 = arith.constant dense<0.000000e+00> : vector<128x1024xf32>
    %dot_general3A_100 = tpu.matmul %concatenate3A, %get3A_98, %dot_general3A_99 {dimension_numbers = #tpu.dot_dimension_numbers<[1], [0], [0], [1], [0, 0, 1, 1], [], []>, transpose_lhs_hint = false} : vector<128x648xbf16>, vector<648x1024xbf16>, vector<128x1024xf32> -> vector<128x1024xf32>
    %slice3A_101 = vector.extract_strided_slice %convert_element_type3A_34 {offsets = [0, 0], sizes = [128, 64], strides = [1, 1]} : vector<128x512xbf16> to vector<128x64xbf16>
    %slice3A_102 = vector.extract_strided_slice %convert_element_type3A_40 {offsets = [0, 0], sizes = [128, 64], strides = [1, 1]} : vector<128x512xbf16> to vector<128x64xbf16>
    %dot_general3A_103 = arith.constant dense<0.000000e+00> : vector<128x128xf32>
    %dot_general3A_104 = tpu.matmul %slice3A_101, %slice3A_102, %dot_general3A_103 {dimension_numbers = #tpu.dot_dimension_numbers<[1], [1], [0], [0], [0, 0, 1, 0], [], []>, transpose_lhs_hint = false} : vector<128x64xbf16>, vector<128x64xbf16>, vector<128x128xf32> -> vector<128x128xf32>
    %add3A_105 = arith.addf %dot_general3A_104, %dot_general3A_49 : vector<128x128xf32>
    %mul3A_106 = arith.constant 0.119522862 : f32
    %mul3A_107 = vector.broadcast %mul3A_106 : f32 to vector<128x128xf32>
    %mul3A_108 = arith.mulf %add3A_105, %mul3A_107 : vector<128x128xf32>
    %slice3A_109 = vector.extract_strided_slice %dot_general3A_100 {offsets = [0, 0], sizes = [128, 128], strides = [1, 1]} : vector<128x1024xf32> to vector<128x128xf32>
    %add3A_110 = arith.addf %mul3A_108, %slice3A_109 : vector<128x128xf32>
    %slice3A_111 = vector.extract_strided_slice %convert_element_type3A_34 {offsets = [0, 64], sizes = [128, 64], strides = [1, 1]} : vector<128x512xbf16> to vector<128x64xbf16>
    %slice3A_112 = vector.extract_strided_slice %convert_element_type3A_40 {offsets = [0, 64], sizes = [128, 64], strides = [1, 1]} : vector<128x512xbf16> to vector<128x64xbf16>
    %dot_general3A_113 = arith.constant dense<0.000000e+00> : vector<128x128xf32>
    %dot_general3A_114 = tpu.matmul %slice3A_111, %slice3A_112, %dot_general3A_113 {dimension_numbers = #tpu.dot_dimension_numbers<[1], [1], [0], [0], [0, 0, 1, 0], [], []>, transpose_lhs_hint = false} : vector<128x64xbf16>, vector<128x64xbf16>, vector<128x128xf32> -> vector<128x128xf32>
    %add3A_115 = arith.addf %dot_general3A_114, %dot_general3A_49 : vector<128x128xf32>
    %mul3A_116 = arith.constant 0.119522862 : f32
    %mul3A_117 = vector.broadcast %mul3A_116 : f32 to vector<128x128xf32>
    %mul3A_118 = arith.mulf %add3A_115, %mul3A_117 : vector<128x128xf32>
    %slice3A_119 = vector.extract_strided_slice %dot_general3A_100 {offsets = [0, 128], sizes = [128, 128], strides = [1, 1]} : vector<128x1024xf32> to vector<128x128xf32>
    %add3A_120 = arith.addf %mul3A_118, %slice3A_119 : vector<128x128xf32>
    %slice3A_121 = vector.extract_strided_slice %convert_element_type3A_34 {offsets = [0, 128], sizes = [128, 64], strides = [1, 1]} : vector<128x512xbf16> to vector<128x64xbf16>
    %slice3A_122 = vector.extract_strided_slice %convert_element_type3A_40 {offsets = [0, 128], sizes = [128, 64], strides = [1, 1]} : vector<128x512xbf16> to vector<128x64xbf16>
    %dot_general3A_123 = arith.constant dense<0.000000e+00> : vector<128x128xf32>
    %dot_general3A_124 = tpu.matmul %slice3A_121, %slice3A_122, %dot_general3A_123 {dimension_numbers = #tpu.dot_dimension_numbers<[1], [1], [0], [0], [0, 0, 1, 0], [], []>, transpose_lhs_hint = false} : vector<128x64xbf16>, vector<128x64xbf16>, vector<128x128xf32> -> vector<128x128xf32>
    %add3A_125 = arith.addf %dot_general3A_124, %dot_general3A_49 : vector<128x128xf32>
    %mul3A_126 = arith.constant 0.119522862 : f32
    %mul3A_127 = vector.broadcast %mul3A_126 : f32 to vector<128x128xf32>
    %mul3A_128 = arith.mulf %add3A_125, %mul3A_127 : vector<128x128xf32>
    %slice3A_129 = vector.extract_strided_slice %dot_general3A_100 {offsets = [0, 256], sizes = [128, 128], strides = [1, 1]} : vector<128x1024xf32> to vector<128x128xf32>
    %add3A_130 = arith.addf %mul3A_128, %slice3A_129 : vector<128x128xf32>
    %slice3A_131 = vector.extract_strided_slice %convert_element_type3A_34 {offsets = [0, 192], sizes = [128, 64], strides = [1, 1]} : vector<128x512xbf16> to vector<128x64xbf16>
    %slice3A_132 = vector.extract_strided_slice %convert_element_type3A_40 {offsets = [0, 192], sizes = [128, 64], strides = [1, 1]} : vector<128x512xbf16> to vector<128x64xbf16>
    %dot_general3A_133 = arith.constant dense<0.000000e+00> : vector<128x128xf32>
    %dot_general3A_134 = tpu.matmul %slice3A_131, %slice3A_132, %dot_general3A_133 {dimension_numbers = #tpu.dot_dimension_numbers<[1], [1], [0], [0], [0, 0, 1, 0], [], []>, transpose_lhs_hint = false} : vector<128x64xbf16>, vector<128x64xbf16>, vector<128x128xf32> -> vector<128x128xf32>
    %add3A_135 = arith.addf %dot_general3A_134, %dot_general3A_49 : vector<128x128xf32>
    %mul3A_136 = arith.constant 0.119522862 : f32
    %mul3A_137 = vector.broadcast %mul3A_136 : f32 to vector<128x128xf32>
    %mul3A_138 = arith.mulf %add3A_135, %mul3A_137 : vector<128x128xf32>
    %slice3A_139 = vector.extract_strided_slice %dot_general3A_100 {offsets = [0, 384], sizes = [128, 128], strides = [1, 1]} : vector<128x1024xf32> to vector<128x128xf32>
    %add3A_140 = arith.addf %mul3A_138, %slice3A_139 : vector<128x128xf32>
    %slice3A_141 = vector.extract_strided_slice %convert_element_type3A_34 {offsets = [0, 256], sizes = [128, 64], strides = [1, 1]} : vector<128x512xbf16> to vector<128x64xbf16>
    %slice3A_142 = vector.extract_strided_slice %convert_element_type3A_40 {offsets = [0, 256], sizes = [128, 64], strides = [1, 1]} : vector<128x512xbf16> to vector<128x64xbf16>
    %dot_general3A_143 = arith.constant dense<0.000000e+00> : vector<128x128xf32>
    %dot_general3A_144 = tpu.matmul %slice3A_141, %slice3A_142, %dot_general3A_143 {dimension_numbers = #tpu.dot_dimension_numbers<[1], [1], [0], [0], [0, 0, 1, 0], [], []>, transpose_lhs_hint = false} : vector<128x64xbf16>, vector<128x64xbf16>, vector<128x128xf32> -> vector<128x128xf32>
    %add3A_145 = arith.addf %dot_general3A_144, %dot_general3A_49 : vector<128x128xf32>
    %mul3A_146 = arith.constant 0.119522862 : f32
    %mul3A_147 = vector.broadcast %mul3A_146 : f32 to vector<128x128xf32>
    %mul3A_148 = arith.mulf %add3A_145, %mul3A_147 : vector<128x128xf32>
    %slice3A_149 = vector.extract_strided_slice %dot_general3A_100 {offsets = [0, 512], sizes = [128, 128], strides = [1, 1]} : vector<128x1024xf32> to vector<128x128xf32>
    %add3A_150 = arith.addf %mul3A_148, %slice3A_149 : vector<128x128xf32>
    %slice3A_151 = vector.extract_strided_slice %convert_element_type3A_34 {offsets = [0, 320], sizes = [128, 64], strides = [1, 1]} : vector<128x512xbf16> to vector<128x64xbf16>
    %slice3A_152 = vector.extract_strided_slice %convert_element_type3A_40 {offsets = [0, 320], sizes = [128, 64], strides = [1, 1]} : vector<128x512xbf16> to vector<128x64xbf16>
    %dot_general3A_153 = arith.constant dense<0.000000e+00> : vector<128x128xf32>
    %dot_general3A_154 = tpu.matmul %slice3A_151, %slice3A_152, %dot_general3A_153 {dimension_numbers = #tpu.dot_dimension_numbers<[1], [1], [0], [0], [0, 0, 1, 0], [], []>, transpose_lhs_hint = false} : vector<128x64xbf16>, vector<128x64xbf16>, vector<128x128xf32> -> vector<128x128xf32>
    %add3A_155 = arith.addf %dot_general3A_154, %dot_general3A_49 : vector<128x128xf32>
    %mul3A_156 = arith.constant 0.119522862 : f32
    %mul3A_157 = vector.broadcast %mul3A_156 : f32 to vector<128x128xf32>
    %mul3A_158 = arith.mulf %add3A_155, %mul3A_157 : vector<128x128xf32>
    %slice3A_159 = vector.extract_strided_slice %dot_general3A_100 {offsets = [0, 640], sizes = [128, 128], strides = [1, 1]} : vector<128x1024xf32> to vector<128x128xf32>
    %add3A_160 = arith.addf %mul3A_158, %slice3A_159 : vector<128x128xf32>
    %slice3A_161 = vector.extract_strided_slice %convert_element_type3A_34 {offsets = [0, 384], sizes = [128, 64], strides = [1, 1]} : vector<128x512xbf16> to vector<128x64xbf16>
    %slice3A_162 = vector.extract_strided_slice %convert_element_type3A_40 {offsets = [0, 384], sizes = [128, 64], strides = [1, 1]} : vector<128x512xbf16> to vector<128x64xbf16>
    %dot_general3A_163 = arith.constant dense<0.000000e+00> : vector<128x128xf32>
    %dot_general3A_164 = tpu.matmul %slice3A_161, %slice3A_162, %dot_general3A_163 {dimension_numbers = #tpu.dot_dimension_numbers<[1], [1], [0], [0], [0, 0, 1, 0], [], []>, transpose_lhs_hint = false} : vector<128x64xbf16>, vector<128x64xbf16>, vector<128x128xf32> -> vector<128x128xf32>
    %add3A_165 = arith.addf %dot_general3A_164, %dot_general3A_49 : vector<128x128xf32>
    %mul3A_166 = arith.constant 0.119522862 : f32
    %mul3A_167 = vector.broadcast %mul3A_166 : f32 to vector<128x128xf32>
    %mul3A_168 = arith.mulf %add3A_165, %mul3A_167 : vector<128x128xf32>
    %slice3A_169 = vector.extract_strided_slice %dot_general3A_100 {offsets = [0, 768], sizes = [128, 128], strides = [1, 1]} : vector<128x1024xf32> to vector<128x128xf32>
    %add3A_170 = arith.addf %mul3A_168, %slice3A_169 : vector<128x128xf32>
    %slice3A_171 = vector.extract_strided_slice %convert_element_type3A_34 {offsets = [0, 448], sizes = [128, 64], strides = [1, 1]} : vector<128x512xbf16> to vector<128x64xbf16>
    %slice3A_172 = vector.extract_strided_slice %convert_element_type3A_40 {offsets = [0, 448], sizes = [128, 64], strides = [1, 1]} : vector<128x512xbf16> to vector<128x64xbf16>
    %dot_general3A_173 = arith.constant dense<0.000000e+00> : vector<128x128xf32>
    %dot_general3A_174 = tpu.matmul %slice3A_171, %slice3A_172, %dot_general3A_173 {dimension_numbers = #tpu.dot_dimension_numbers<[1], [1], [0], [0], [0, 0, 1, 0], [], []>, transpose_lhs_hint = false} : vector<128x64xbf16>, vector<128x64xbf16>, vector<128x128xf32> -> vector<128x128xf32>
    %add3A_175 = arith.addf %dot_general3A_174, %dot_general3A_49 : vector<128x128xf32>
    %mul3A_176 = arith.constant 0.119522862 : f32
    %mul3A_177 = vector.broadcast %mul3A_176 : f32 to vector<128x128xf32>
    %mul3A_178 = arith.mulf %add3A_175, %mul3A_177 : vector<128x128xf32>
    %slice3A_179 = vector.extract_strided_slice %dot_general3A_100 {offsets = [0, 896], sizes = [128, 128], strides = [1, 1]} : vector<128x1024xf32> to vector<128x128xf32>
    %add3A_180 = arith.addf %mul3A_178, %slice3A_179 : vector<128x128xf32>
    %reduce_max3A = arith.constant dense<0xFF800000> : vector<128xf32>
    %reduce_max3A_181 = vector.multi_reduction <maximumf>, %add3A_110, %reduce_max3A [1] : vector<128x128xf32> to vector<128xf32>
    %broadcast_in_dim3A_182 = vector.shape_cast %reduce_max3A_181 : vector<128xf32> to vector<128x1xf32>
    %reduce_max3A_183 = arith.constant dense<0xFF800000> : vector<128xf32>
    %reduce_max3A_184 = vector.multi_reduction <maximumf>, %add3A_120, %reduce_max3A_183 [1] : vector<128x128xf32> to vector<128xf32>
    %broadcast_in_dim3A_185 = vector.shape_cast %reduce_max3A_184 : vector<128xf32> to vector<128x1xf32>
    %reduce_max3A_186 = arith.constant dense<0xFF800000> : vector<128xf32>
    %reduce_max3A_187 = vector.multi_reduction <maximumf>, %add3A_130, %reduce_max3A_186 [1] : vector<128x128xf32> to vector<128xf32>
    %broadcast_in_dim3A_188 = vector.shape_cast %reduce_max3A_187 : vector<128xf32> to vector<128x1xf32>
    %reduce_max3A_189 = arith.constant dense<0xFF800000> : vector<128xf32>
    %reduce_max3A_190 = vector.multi_reduction <maximumf>, %add3A_140, %reduce_max3A_189 [1] : vector<128x128xf32> to vector<128xf32>
    %broadcast_in_dim3A_191 = vector.shape_cast %reduce_max3A_190 : vector<128xf32> to vector<128x1xf32>
    %reduce_max3A_192 = arith.constant dense<0xFF800000> : vector<128xf32>
    %reduce_max3A_193 = vector.multi_reduction <maximumf>, %add3A_150, %reduce_max3A_192 [1] : vector<128x128xf32> to vector<128xf32>
    %broadcast_in_dim3A_194 = vector.shape_cast %reduce_max3A_193 : vector<128xf32> to vector<128x1xf32>
    %reduce_max3A_195 = arith.constant dense<0xFF800000> : vector<128xf32>
    %reduce_max3A_196 = vector.multi_reduction <maximumf>, %add3A_160, %reduce_max3A_195 [1] : vector<128x128xf32> to vector<128xf32>
    %broadcast_in_dim3A_197 = vector.shape_cast %reduce_max3A_196 : vector<128xf32> to vector<128x1xf32>
    %reduce_max3A_198 = arith.constant dense<0xFF800000> : vector<128xf32>
    %reduce_max3A_199 = vector.multi_reduction <maximumf>, %add3A_170, %reduce_max3A_198 [1] : vector<128x128xf32> to vector<128xf32>
    %broadcast_in_dim3A_200 = vector.shape_cast %reduce_max3A_199 : vector<128xf32> to vector<128x1xf32>
    %reduce_max3A_201 = arith.constant dense<0xFF800000> : vector<128xf32>
    %reduce_max3A_202 = vector.multi_reduction <maximumf>, %add3A_180, %reduce_max3A_201 [1] : vector<128x128xf32> to vector<128xf32>
    %broadcast_in_dim3A_203 = vector.shape_cast %reduce_max3A_202 : vector<128xf32> to vector<128x1xf32>
    %sub3A_204 = vector.broadcast %broadcast_in_dim3A_182 : vector<128x1xf32> to vector<128x128xf32>
    %sub3A_205 = arith.subf %add3A_110, %sub3A_204 : vector<128x128xf32>
    %exp3A = math.exp %sub3A_205 : vector<128x128xf32>
    %sub3A_206 = vector.broadcast %broadcast_in_dim3A_185 : vector<128x1xf32> to vector<128x128xf32>
    %sub3A_207 = arith.subf %add3A_120, %sub3A_206 : vector<128x128xf32>
    %exp3A_208 = math.exp %sub3A_207 : vector<128x128xf32>
    %sub3A_209 = vector.broadcast %broadcast_in_dim3A_188 : vector<128x1xf32> to vector<128x128xf32>
    %sub3A_210 = arith.subf %add3A_130, %sub3A_209 : vector<128x128xf32>
    %exp3A_211 = math.exp %sub3A_210 : vector<128x128xf32>
    %sub3A_212 = vector.broadcast %broadcast_in_dim3A_191 : vector<128x1xf32> to vector<128x128xf32>
    %sub3A_213 = arith.subf %add3A_140, %sub3A_212 : vector<128x128xf32>
    %exp3A_214 = math.exp %sub3A_213 : vector<128x128xf32>
    %sub3A_215 = vector.broadcast %broadcast_in_dim3A_194 : vector<128x1xf32> to vector<128x128xf32>
    %sub3A_216 = arith.subf %add3A_150, %sub3A_215 : vector<128x128xf32>
    %exp3A_217 = math.exp %sub3A_216 : vector<128x128xf32>
    %sub3A_218 = vector.broadcast %broadcast_in_dim3A_197 : vector<128x1xf32> to vector<128x128xf32>
    %sub3A_219 = arith.subf %add3A_160, %sub3A_218 : vector<128x128xf32>
    %exp3A_220 = math.exp %sub3A_219 : vector<128x128xf32>
    %sub3A_221 = vector.broadcast %broadcast_in_dim3A_200 : vector<128x1xf32> to vector<128x128xf32>
    %sub3A_222 = arith.subf %add3A_170, %sub3A_221 : vector<128x128xf32>
    %exp3A_223 = math.exp %sub3A_222 : vector<128x128xf32>
    %sub3A_224 = vector.broadcast %broadcast_in_dim3A_203 : vector<128x1xf32> to vector<128x128xf32>
    %sub3A_225 = arith.subf %add3A_180, %sub3A_224 : vector<128x128xf32>
    %exp3A_226 = math.exp %sub3A_225 : vector<128x128xf32>
    %reduce_sum3A_227 = arith.constant dense<0.000000e+00> : vector<128xf32>
    %reduce_sum3A_228 = vector.multi_reduction <add>, %exp3A, %reduce_sum3A_227 [1] : vector<128x128xf32> to vector<128xf32>
    %broadcast_in_dim3A_229 = vector.shape_cast %reduce_sum3A_228 : vector<128xf32> to vector<128x1xf32>
    %integer_pow3A = arith.constant 1.000000e+00 : f32
    %integer_pow3A_230 = vector.broadcast %integer_pow3A : f32 to vector<128x1xf32>
    %integer_pow3A_231 = arith.divf %integer_pow3A_230, %broadcast_in_dim3A_229 : vector<128x1xf32>
    %reduce_sum3A_232 = arith.constant dense<0.000000e+00> : vector<128xf32>
    %reduce_sum3A_233 = vector.multi_reduction <add>, %exp3A_208, %reduce_sum3A_232 [1] : vector<128x128xf32> to vector<128xf32>
    %broadcast_in_dim3A_234 = vector.shape_cast %reduce_sum3A_233 : vector<128xf32> to vector<128x1xf32>
    %integer_pow3A_235 = arith.constant 1.000000e+00 : f32
    %integer_pow3A_236 = vector.broadcast %integer_pow3A_235 : f32 to vector<128x1xf32>
    %integer_pow3A_237 = arith.divf %integer_pow3A_236, %broadcast_in_dim3A_234 : vector<128x1xf32>
    %reduce_sum3A_238 = arith.constant dense<0.000000e+00> : vector<128xf32>
    %reduce_sum3A_239 = vector.multi_reduction <add>, %exp3A_211, %reduce_sum3A_238 [1] : vector<128x128xf32> to vector<128xf32>
    %broadcast_in_dim3A_240 = vector.shape_cast %reduce_sum3A_239 : vector<128xf32> to vector<128x1xf32>
    %integer_pow3A_241 = arith.constant 1.000000e+00 : f32
    %integer_pow3A_242 = vector.broadcast %integer_pow3A_241 : f32 to vector<128x1xf32>
    %integer_pow3A_243 = arith.divf %integer_pow3A_242, %broadcast_in_dim3A_240 : vector<128x1xf32>
    %reduce_sum3A_244 = arith.constant dense<0.000000e+00> : vector<128xf32>
    %reduce_sum3A_245 = vector.multi_reduction <add>, %exp3A_214, %reduce_sum3A_244 [1] : vector<128x128xf32> to vector<128xf32>
    %broadcast_in_dim3A_246 = vector.shape_cast %reduce_sum3A_245 : vector<128xf32> to vector<128x1xf32>
    %integer_pow3A_247 = arith.constant 1.000000e+00 : f32
    %integer_pow3A_248 = vector.broadcast %integer_pow3A_247 : f32 to vector<128x1xf32>
    %integer_pow3A_249 = arith.divf %integer_pow3A_248, %broadcast_in_dim3A_246 : vector<128x1xf32>
    %reduce_sum3A_250 = arith.constant dense<0.000000e+00> : vector<128xf32>
    %reduce_sum3A_251 = vector.multi_reduction <add>, %exp3A_217, %reduce_sum3A_250 [1] : vector<128x128xf32> to vector<128xf32>
    %broadcast_in_dim3A_252 = vector.shape_cast %reduce_sum3A_251 : vector<128xf32> to vector<128x1xf32>
    %integer_pow3A_253 = arith.constant 1.000000e+00 : f32
    %integer_pow3A_254 = vector.broadcast %integer_pow3A_253 : f32 to vector<128x1xf32>
    %integer_pow3A_255 = arith.divf %integer_pow3A_254, %broadcast_in_dim3A_252 : vector<128x1xf32>
    %reduce_sum3A_256 = arith.constant dense<0.000000e+00> : vector<128xf32>
    %reduce_sum3A_257 = vector.multi_reduction <add>, %exp3A_220, %reduce_sum3A_256 [1] : vector<128x128xf32> to vector<128xf32>
    %broadcast_in_dim3A_258 = vector.shape_cast %reduce_sum3A_257 : vector<128xf32> to vector<128x1xf32>
    %integer_pow3A_259 = arith.constant 1.000000e+00 : f32
    %integer_pow3A_260 = vector.broadcast %integer_pow3A_259 : f32 to vector<128x1xf32>
    %integer_pow3A_261 = arith.divf %integer_pow3A_260, %broadcast_in_dim3A_258 : vector<128x1xf32>
    %reduce_sum3A_262 = arith.constant dense<0.000000e+00> : vector<128xf32>
    %reduce_sum3A_263 = vector.multi_reduction <add>, %exp3A_223, %reduce_sum3A_262 [1] : vector<128x128xf32> to vector<128xf32>
    %broadcast_in_dim3A_264 = vector.shape_cast %reduce_sum3A_263 : vector<128xf32> to vector<128x1xf32>
    %integer_pow3A_265 = arith.constant 1.000000e+00 : f32
    %integer_pow3A_266 = vector.broadcast %integer_pow3A_265 : f32 to vector<128x1xf32>
    %integer_pow3A_267 = arith.divf %integer_pow3A_266, %broadcast_in_dim3A_264 : vector<128x1xf32>
    %reduce_sum3A_268 = arith.constant dense<0.000000e+00> : vector<128xf32>
    %reduce_sum3A_269 = vector.multi_reduction <add>, %exp3A_226, %reduce_sum3A_268 [1] : vector<128x128xf32> to vector<128xf32>
    %broadcast_in_dim3A_270 = vector.shape_cast %reduce_sum3A_269 : vector<128xf32> to vector<128x1xf32>
    %integer_pow3A_271 = arith.constant 1.000000e+00 : f32
    %integer_pow3A_272 = vector.broadcast %integer_pow3A_271 : f32 to vector<128x1xf32>
    %integer_pow3A_273 = arith.divf %integer_pow3A_272, %broadcast_in_dim3A_270 : vector<128x1xf32>
    %mul3A_274 = vector.broadcast %integer_pow3A_231 : vector<128x1xf32> to vector<128x128xf32>
    %mul3A_275 = arith.mulf %exp3A, %mul3A_274 : vector<128x128xf32>
    %convert_element_type3A_276 = arith.truncf %mul3A_275 : vector<128x128xf32> to vector<128x128xbf16>
    %mul3A_277 = vector.broadcast %integer_pow3A_237 : vector<128x1xf32> to vector<128x128xf32>
    %mul3A_278 = arith.mulf %exp3A_208, %mul3A_277 : vector<128x128xf32>
    %convert_element_type3A_279 = arith.truncf %mul3A_278 : vector<128x128xf32> to vector<128x128xbf16>
    %mul3A_280 = vector.broadcast %integer_pow3A_243 : vector<128x1xf32> to vector<128x128xf32>
    %mul3A_281 = arith.mulf %exp3A_211, %mul3A_280 : vector<128x128xf32>
    %convert_element_type3A_282 = arith.truncf %mul3A_281 : vector<128x128xf32> to vector<128x128xbf16>
    %mul3A_283 = vector.broadcast %integer_pow3A_249 : vector<128x1xf32> to vector<128x128xf32>
    %mul3A_284 = arith.mulf %exp3A_214, %mul3A_283 : vector<128x128xf32>
    %convert_element_type3A_285 = arith.truncf %mul3A_284 : vector<128x128xf32> to vector<128x128xbf16>
    %mul3A_286 = vector.broadcast %integer_pow3A_255 : vector<128x1xf32> to vector<128x128xf32>
    %mul3A_287 = arith.mulf %exp3A_217, %mul3A_286 : vector<128x128xf32>
    %convert_element_type3A_288 = arith.truncf %mul3A_287 : vector<128x128xf32> to vector<128x128xbf16>
    %mul3A_289 = vector.broadcast %integer_pow3A_261 : vector<128x1xf32> to vector<128x128xf32>
    %mul3A_290 = arith.mulf %exp3A_220, %mul3A_289 : vector<128x128xf32>
    %convert_element_type3A_291 = arith.truncf %mul3A_290 : vector<128x128xf32> to vector<128x128xbf16>
    %mul3A_292 = vector.broadcast %integer_pow3A_267 : vector<128x1xf32> to vector<128x128xf32>
    %mul3A_293 = arith.mulf %exp3A_223, %mul3A_292 : vector<128x128xf32>
    %convert_element_type3A_294 = arith.truncf %mul3A_293 : vector<128x128xf32> to vector<128x128xbf16>
    %mul3A_295 = vector.broadcast %integer_pow3A_273 : vector<128x1xf32> to vector<128x128xf32>
    %mul3A_296 = arith.mulf %exp3A_226, %mul3A_295 : vector<128x128xf32>
    %convert_element_type3A_297 = arith.truncf %mul3A_296 : vector<128x128xf32> to vector<128x128xbf16>
    %slice3A_298 = vector.extract_strided_slice %convert_element_type3A_46 {offsets = [0, 0], sizes = [128, 64], strides = [1, 1]} : vector<128x512xbf16> to vector<128x64xbf16>
    %dot_general3A_299 = arith.constant dense<0.000000e+00> : vector<128x64xf32>
    %dot_general3A_300 = tpu.matmul %convert_element_type3A_276, %slice3A_298, %dot_general3A_299 {dimension_numbers = #tpu.dot_dimension_numbers<[1], [0], [0], [1], [0, 0, 1, 1], [], []>, transpose_lhs_hint = false} : vector<128x128xbf16>, vector<128x64xbf16>, vector<128x64xf32> -> vector<128x64xf32>
    %convert_element_type3A_301 = arith.truncf %dot_general3A_300 : vector<128x64xf32> to vector<128x64xbf16>
    %slice3A_302 = vector.extract_strided_slice %convert_element_type3A_46 {offsets = [0, 64], sizes = [128, 64], strides = [1, 1]} : vector<128x512xbf16> to vector<128x64xbf16>
    %dot_general3A_303 = arith.constant dense<0.000000e+00> : vector<128x64xf32>
    %dot_general3A_304 = tpu.matmul %convert_element_type3A_279, %slice3A_302, %dot_general3A_303 {dimension_numbers = #tpu.dot_dimension_numbers<[1], [0], [0], [1], [0, 0, 1, 1], [], []>, transpose_lhs_hint = false} : vector<128x128xbf16>, vector<128x64xbf16>, vector<128x64xf32> -> vector<128x64xf32>
    %convert_element_type3A_305 = arith.truncf %dot_general3A_304 : vector<128x64xf32> to vector<128x64xbf16>
    %slice3A_306 = vector.extract_strided_slice %convert_element_type3A_46 {offsets = [0, 128], sizes = [128, 64], strides = [1, 1]} : vector<128x512xbf16> to vector<128x64xbf16>
    %dot_general3A_307 = arith.constant dense<0.000000e+00> : vector<128x64xf32>
    %dot_general3A_308 = tpu.matmul %convert_element_type3A_282, %slice3A_306, %dot_general3A_307 {dimension_numbers = #tpu.dot_dimension_numbers<[1], [0], [0], [1], [0, 0, 1, 1], [], []>, transpose_lhs_hint = false} : vector<128x128xbf16>, vector<128x64xbf16>, vector<128x64xf32> -> vector<128x64xf32>
    %convert_element_type3A_309 = arith.truncf %dot_general3A_308 : vector<128x64xf32> to vector<128x64xbf16>
    %slice3A_310 = vector.extract_strided_slice %convert_element_type3A_46 {offsets = [0, 192], sizes = [128, 64], strides = [1, 1]} : vector<128x512xbf16> to vector<128x64xbf16>
    %dot_general3A_311 = arith.constant dense<0.000000e+00> : vector<128x64xf32>
    %dot_general3A_312 = tpu.matmul %convert_element_type3A_285, %slice3A_310, %dot_general3A_311 {dimension_numbers = #tpu.dot_dimension_numbers<[1], [0], [0], [1], [0, 0, 1, 1], [], []>, transpose_lhs_hint = false} : vector<128x128xbf16>, vector<128x64xbf16>, vector<128x64xf32> -> vector<128x64xf32>
    %convert_element_type3A_313 = arith.truncf %dot_general3A_312 : vector<128x64xf32> to vector<128x64xbf16>
    %slice3A_314 = vector.extract_strided_slice %convert_element_type3A_46 {offsets = [0, 256], sizes = [128, 64], strides = [1, 1]} : vector<128x512xbf16> to vector<128x64xbf16>
    %dot_general3A_315 = arith.constant dense<0.000000e+00> : vector<128x64xf32>
    %dot_general3A_316 = tpu.matmul %convert_element_type3A_288, %slice3A_314, %dot_general3A_315 {dimension_numbers = #tpu.dot_dimension_numbers<[1], [0], [0], [1], [0, 0, 1, 1], [], []>, transpose_lhs_hint = false} : vector<128x128xbf16>, vector<128x64xbf16>, vector<128x64xf32> -> vector<128x64xf32>
    %convert_element_type3A_317 = arith.truncf %dot_general3A_316 : vector<128x64xf32> to vector<128x64xbf16>
    %slice3A_318 = vector.extract_strided_slice %convert_element_type3A_46 {offsets = [0, 320], sizes = [128, 64], strides = [1, 1]} : vector<128x512xbf16> to vector<128x64xbf16>
    %dot_general3A_319 = arith.constant dense<0.000000e+00> : vector<128x64xf32>
    %dot_general3A_320 = tpu.matmul %convert_element_type3A_291, %slice3A_318, %dot_general3A_319 {dimension_numbers = #tpu.dot_dimension_numbers<[1], [0], [0], [1], [0, 0, 1, 1], [], []>, transpose_lhs_hint = false} : vector<128x128xbf16>, vector<128x64xbf16>, vector<128x64xf32> -> vector<128x64xf32>
    %convert_element_type3A_321 = arith.truncf %dot_general3A_320 : vector<128x64xf32> to vector<128x64xbf16>
    %slice3A_322 = vector.extract_strided_slice %convert_element_type3A_46 {offsets = [0, 384], sizes = [128, 64], strides = [1, 1]} : vector<128x512xbf16> to vector<128x64xbf16>
    %dot_general3A_323 = arith.constant dense<0.000000e+00> : vector<128x64xf32>
    %dot_general3A_324 = tpu.matmul %convert_element_type3A_294, %slice3A_322, %dot_general3A_323 {dimension_numbers = #tpu.dot_dimension_numbers<[1], [0], [0], [1], [0, 0, 1, 1], [], []>, transpose_lhs_hint = false} : vector<128x128xbf16>, vector<128x64xbf16>, vector<128x64xf32> -> vector<128x64xf32>
    %convert_element_type3A_325 = arith.truncf %dot_general3A_324 : vector<128x64xf32> to vector<128x64xbf16>
    %slice3A_326 = vector.extract_strided_slice %convert_element_type3A_46 {offsets = [0, 448], sizes = [128, 64], strides = [1, 1]} : vector<128x512xbf16> to vector<128x64xbf16>
    %dot_general3A_327 = arith.constant dense<0.000000e+00> : vector<128x64xf32>
    %dot_general3A_328 = tpu.matmul %convert_element_type3A_297, %slice3A_326, %dot_general3A_327 {dimension_numbers = #tpu.dot_dimension_numbers<[1], [0], [0], [1], [0, 0, 1, 1], [], []>, transpose_lhs_hint = false} : vector<128x128xbf16>, vector<128x64xbf16>, vector<128x64xf32> -> vector<128x64xf32>
    %convert_element_type3A_329 = arith.truncf %dot_general3A_328 : vector<128x64xf32> to vector<128x64xbf16>
    %concatenate3A_330 = tpu.concatenate %convert_element_type3A_301, %convert_element_type3A_305, %convert_element_type3A_309, %convert_element_type3A_313, %convert_element_type3A_317, %convert_element_type3A_321, %convert_element_type3A_325, %convert_element_type3A_329 in 1 : vector<128x64xbf16>, vector<128x64xbf16>, vector<128x64xbf16>, vector<128x64xbf16>, vector<128x64xbf16>, vector<128x64xbf16>, vector<128x64xbf16>, vector<128x64xbf16> -> vector<128x512xbf16>
    %get3A_331 = arith.constant 0 : index
    %get3A_332 = arith.constant 0 : index
    %get3A_333 = vector.load %arg6[%get3A_331, %get3A_332] : memref<512x128xbf16, #tpu.memory_space<vmem>>, vector<512x128xbf16>
    %dot_general3A_334 = arith.constant dense<0.000000e+00> : vector<128x128xf32>
    %dot_general3A_335 = tpu.matmul %concatenate3A_330, %get3A_333, %dot_general3A_334 {dimension_numbers = #tpu.dot_dimension_numbers<[1], [0], [0], [1], [0, 0, 1, 1], [], []>, transpose_lhs_hint = false} : vector<128x512xbf16>, vector<512x128xbf16>, vector<128x128xf32> -> vector<128x128xf32>
    %mul3A_336 = arith.constant 5.000000e-01 : f32
    %mul3A_337 = vector.broadcast %mul3A_336 : f32 to vector<128x128xf32>
    %mul3A_338 = arith.mulf %dot_general3A_335, %mul3A_337 : vector<128x128xf32>
    %swap3A = arith.constant 0 : index
    %swap3A_339 = arith.constant 0 : index
    %swap3A_340 = arith.constant 0 : index
    %swap3A_341 = arith.constant 0 : index
    %swap3A_342 = vector.load %arg10[%swap3A, %swap3A_339, %swap3A_340, %swap3A_341] : memref<1x1x128x128xf32, #tpu.memory_space<vmem>>, vector<1x1x128x128xf32>
    %swap3A_343 = vector.shape_cast %swap3A_342 : vector<1x1x128x128xf32> to vector<128x128xf32>
    %swap3A_344 = vector.shape_cast %mul3A_338 : vector<128x128xf32> to vector<1x1x128x128xf32>
    tpu.vector_store %arg10[%swap3A, %swap3A_339, %swap3A_340, %swap3A_341], %swap3A_344 {strides = array<i32>} : memref<1x1x128x128xf32, #tpu.memory_space<vmem>>, vector<1x1x128x128xf32>,
    return
  }
  func.func @transform_0(%arg0: i32, %arg1: i32) -> (i32, i32, i32, i32) {
    %c0_i32 = arith.constant 0 : i32
    %c0_i32_0 = arith.constant 0 : i32
    %c0_i32_1 = arith.constant 0 : i32
    return %arg0, %arg1, %c0_i32, %c0_i32_0 : i32, i32, i32, i32
  }
  func.func @transform_1(%arg0: i32, %arg1: i32) -> (i32, i32) {
    %c0_i32 = arith.constant 0 : i32
    %c0_i32_0 = arith.constant 0 : i32
    %c0_i32_1 = arith.constant 0 : i32
    return %c0_i32, %c0_i32_0 : i32, i32
  }
  func.func @transform_2(%arg0: i32, %arg1: i32) -> (i32, i32) {
    %c0_i32 = arith.constant 0 : i32
    %c0_i32_0 = arith.constant 0 : i32
    %c0_i32_1 = arith.constant 0 : i32
    return %c0_i32, %c0_i32_0 : i32, i32
  }
  func.func @transform_3(%arg0: i32, %arg1: i32) -> (i32, i32) {
    %c0_i32 = arith.constant 0 : i32
    %c0_i32_0 = arith.constant 0 : i32
    %c0_i32_1 = arith.constant 0 : i32
    return %c0_i32, %c0_i32_0 : i32, i32
  }
  func.func @transform_4(%arg0: i32, %arg1: i32) -> (i32, i32) {
    %c0_i32 = arith.constant 0 : i32
    %c0_i32_0 = arith.constant 0 : i32
    %c0_i32_1 = arith.constant 0 : i32
    return %c0_i32, %c0_i32_0 : i32, i32
  }
  func.func @transform_5(%arg0: i32, %arg1: i32) -> (i32, i32) {
    %c0_i32 = arith.constant 0 : i32
    %c0_i32_0 = arith.constant 0 : i32
    %c0_i32_1 = arith.constant 0 : i32
    return %c0_i32, %c0_i32_0 : i32, i32
  }
  func.func @transform_6(%arg0: i32, %arg1: i32) -> (i32, i32) {
    %c0_i32 = arith.constant 0 : i32
    %c0_i32_0 = arith.constant 0 : i32
    %c0_i32_1 = arith.constant 0 : i32
    return %c0_i32, %c0_i32_0 : i32, i32
  }
  func.func @transform_7(%arg0: i32, %arg1: i32) -> (i32, i32) {
    %c0_i32 = arith.constant 0 : i32
    %c0_i32_0 = arith.constant 0 : i32
    %c0_i32_1 = arith.constant 0 : i32
    return %c0_i32, %c0_i32_0 : i32, i32
  }
  func.func @transform_8(%arg0: i32, %arg1: i32) -> (i32, i32, i32, i32) {
    %c0_i32 = arith.constant 0 : i32
    %c0_i32_0 = arith.constant 0 : i32
    %c0_i32_1 = arith.constant 0 : i32
    return %arg0, %arg1, %c0_i32, %c0_i32_0 : i32, i32, i32, i32
  }
}

</mosaic_0001>

<sc_bundles>
// kernel: kernel.5.cloned.1.call-start
scs
__scs_entry_jumppad:
0x0: {  	(pc) =	sbr.rel $0x88, $3  }
0x1: {  	(tag) =	ssettag $0x0;
	lr =	simm.s32 $0x1  }
0x2: {  	[smem:$0x3F97] =	sst lr;
	_ =	strace $0xD0000000  }
0x3: {  	_ = 	snop  }
0x4: {  	_ = 	snop  }
0x5: {  	_ = 	snop  }
0x6: {  	_ = 	snop  }
0x7: {  	_ = 	snop  }
__scs_overlays_trampoline_lowered:
0x8: {  	[smem:$0x3FA6] =	sst s0  }
0x9: {  	[smem:$0x3FA7] =	sst s1  }
0xa: {  	[smem:$0x3FA8] =	sst s2  }
0xb: {  	[smem:$0x3FA9] =	sst s3  }
0xc: {  	[smem:$0x3FAA] =	sst s4  }
0xd: {  	[smem:$0x3FAB] =	sst s5  }
0xe: {  	[smem:$0x3FAC] =	sst s6  }
0xf: {  	[smem:$0x3FAD] =	sst s7  }
0x10: {  	[smem:$0x3FAE] =	sst s8  }
0x11: {  	[smem:$0x3FAF] =	sst s9;
	s0 =	simm.s32 @!p0 $0x0  }
0x12: {  	s1 =	sld [smem:$0x3F95];
	s0 =	simm.s32 @p0 $0x1  }
0x13: {  	[smem:$0x3FB0] =	sst s0;
	s0 =	simm.s32 @!p1 $0x0  }
0x14: {  	s2 =	sld [smem:$0x3F94];
	s0 =	simm.s32 @p1 $0x1  }
0x15: {  	[smem:$0x3FB1] =	sst s0;
	s0 =	simm.s32 @!p2 $0x0  }
0x16: {  	s3 =	sld [smem:$0x3FDB];
	s0 =	simm.s32 @p2 $0x1  }
0x17: {  	s4 =	simm.s32 $0x1BF5;
	[smem:$0x3FB3] =	sst s0  }
0x18: {  	s0 =	sld [smem:$0x3F96];
	_ =	swait.ge [sflag:s4], $0x0  }
0x19: {  	s7 =	sld [smem:$0x3F97]  }
0x1a: {  	s8 =	sadd.s32 $0xFFFFE003, lr  }
0x1b: {  	s9 =	sadd.s32 $0xFFFFFEF7, lr;
	s5 =	simm.s32 $0xFFFFFFFF;
	p2 =	slt.u32 s8, $0xFFFFF086  }
0x1c: {  	p1 =	slt.u32 s9, $0xF7A;
	s5 =	simm.s32 @!p2 $0x0  }
0x1d: {  	s5 =	simm.s32 @p1 $0x1;
	p0 =	seq.s32 s7, s2  }
0x1e: {  	s7 =	smul.u32 @!p0 $0xF7A, s2;
	p2 =	seq.s32 @!p0 s5, $0x0  }
0x1f: {  	s9 =	smul.u32 $0xF7A, s1;
	s8 =	simm.s32 @!p0 $0x1BF5;
	p2 =	por !p2, p0  }
0x20: {  	[sflag:s8] =	ssyncset.s32 @!p0 $0xFFFFF086;
	s6 =	sadd.s32 @!p0 s3, s7;
	s7 =	simm.s32 @!p0 $0x108  }
0x21: {  	s3 =	sadd.s32 s3, s9;
	s6 =	sadd.s32 @!p0 $0x88, s6;
	s7 =	simm.s32 @p2 $0x1082  }
0x22: {  	[simem:s7], [sflag:s8] =	dma.local @!p0 [hbm:s6], $0xF7A  }
0x23: {  	s9 =	sor.u32 $0xD0000000, s2;
	s6 =	simm.s32 $0x108;
	_ =	swait.ge @!p0 [sflag:s8], $0x0  }
0x24: {  	s3 =	sadd.s32 $0x88, s3;
	s6 =	simm.s32 @!p1 $0x1082;
	[sflag:s4] =	ssyncset.s32 $0xFFFFF086  }
0x25: {  	[simem:s6], [sflag:s4] =	dma.local [hbm:s3], $0xF7A  }
0x26: {  	[smem:$0x3F97] =	sst s1;
	(tag) =	ssettag s2;
	_ =	strace s9  }
0x27: {  	s1 =	sld [smem:$0x3FA7]  }
0x28: {  	s2 =	sld [smem:$0x3FA8]  }
0x29: {  	s4 =	sld [smem:$0x3FAA]  }
0x2a: {  	p0 =	seq.s32 s5, $0x0;
	s5 =	sld [smem:$0x3FAB]  }
0x2b: {  	s6 =	sld [smem:$0x3FAC]  }
0x2c: {  	s7 =	sld [smem:$0x3FAD]  }
0x2d: {  	s3 =	simm.s32 $0x108;
	s8 =	sld [smem:$0x3FAE]  }
0x2e: {  	s3 =	simm.s32 @!p0 $0x1082;
	s9 =	sld [smem:$0x3FAF]  }
0x2f: {  	lr =	sadd.s32 s0, s3;
	s0 =	sld [smem:$0x3FA6]  }
0x30: {  	s3 =	sld [smem:$0x3FA9]  }
0x31: {  	[smem:$0x3FB2] =	sst s10  }
0x32: {  	s10 =	sld [smem:$0x3FB0];
	_ =	sdelay $0x3  }
0x33: {  	p0 =	seq.s32 s10, $0x1;
	s10 =	sld [smem:$0x3FB2];
	_ =	sdelay $0x3  }
0x34: {  	[smem:$0x3FB2] =	sst s10  }
0x35: {  	s10 =	sld [smem:$0x3FB1];
	_ =	sdelay $0x3  }
0x36: {  	p1 =	seq.s32 s10, $0x1;
	s10 =	sld [smem:$0x3FB2];
	_ =	sdelay $0x3  }
0x37: {  	[smem:$0x3FB2] =	sst s10  }
0x38: {  	s10 =	sld [smem:$0x3FB3]  }
0x39: {  	_ = 	snop;
	(pc) =	sbr.ind lr, $3  }
0x3a: {  	_ = 	snop  }
0x3b: {  	_ = 	snop  }
0x3c: {  	p2 =	seq.s32 s10, $0x1;
	s10 =	sld [smem:$0x3FB2]  }
0x3d: {  	_ =	shalt  }
0x3e: {  	_ =	shalt  }
0x3f: {  	_ =	shalt  }
0x40: {  	_ =	shalt  }
0x41: {  	_ =	shalt  }
0x42: {  	_ =	shalt  }
0x43: {  	_ =	shalt  }
0x44: {  	_ =	shalt  }
0x45: {  	_ =	shalt  }
0x46: {  	_ =	shalt  }
0x47: {  	_ =	shalt  }
0x48: {  	_ =	shalt  }
0x49: {  	_ =	shalt  }
0x4a: {  	_ =	shalt  }
0x4b: {  	_ =	shalt  }
0x4c: {  	_ =	shalt  }
0x4d: {  	_ =	shalt  }
0x4e: {  	_ =	shalt  }
0x4f: {  	_ =	shalt  }
0x50: {  	_ =	shalt  }
0x51: {  	_ =	shalt  }
0x52: {  	_ =	shalt  }
0x53: {  	_ =	shalt  }
0x54: {  	_ =	shalt  }
0x55: {  	_ =	shalt  }
0x56: {  	_ =	shalt  }
0x57: {  	_ =	shalt  }
0x58: {  	_ =	shalt  }
0x59: {  	_ =	shalt  }
0x5a: {  	_ =	shalt  }
0x5b: {  	_ =	shalt  }
0x5c: {  	_ =	shalt  }
0x5d: {  	_ =	shalt  }
0x5e: {  	_ =	shalt  }
0x5f: {  	_ =	shalt  }
0x60: {  	_ =	shalt  }
0x61: {  	_ =	shalt  }
0x62: {  	_ =	shalt  }
0x63: {  	_ =	shalt  }
0x64: {  	_ =	shalt  }
0x65: {  	_ =	shalt  }
0x66: {  	_ =	shalt  }
0x67: {  	_ =	shalt  }
0x68: {  	_ =	shalt  }
0x69: {  	_ =	shalt  }
0x6a: {  	_ =	shalt  }
0x6b: {  	_ =	shalt  }
0x6c: {  	_ =	shalt  }
0x6d: {  	_ =	shalt  }
0x6e: {  	_ =	shalt  }
0x6f: {  	_ =	shalt  }
0x70: {  	_ =	shalt  }
0x71: {  	_ =	shalt  }
0x72: {  	_ =	shalt  }
0x73: {  	_ =	shalt  }
0x74: {  	_ =	shalt  }
0x75: {  	_ =	shalt  }
0x76: {  	_ =	shalt  }
0x77: {  	_ =	shalt  }
0x78: {  	_ =	shalt  }
0x79: {  	_ =	shalt  }
0x7a: {  	_ =	shalt  }
0x7b: {  	_ =	shalt  }
0x7c: {  	_ =	shalt  }
0x7d: {  	_ =	shalt  }
0x7e: {  	_ =	shalt  }
0x7f: {  	_ =	shalt  }
0x80: {  	_ =	shalt  }
0x81: {  	_ =	shalt  }
0x82: {  	_ =	shalt  }
0x83: {  	_ =	shalt  }
0x84: {  	_ =	shalt  }
0x85: {  	_ =	shalt  }
0x86: {  	_ =	shalt  }
0x87: {  	_ =	shalt  }
.Lfunc_end0:
.L_simem_size_0:
called_computation_lowered:
.L_overlay_start_0:
0x88: {  	s2 =	sld [smem:$0x3FD9]  }
0x89: {  	s3 =	sld [smem:$0x3FFE];
	_ =	sdelay $0x1  }
0x8a: {  	s1 =	srdreg.scid  }
0x8b: {  	s0 =	sand.u32 $0x1, s1  }
0x8c: {  	s17 =	sshll.u32 s0, $0xA;
	s2 =	sadd.s32 s3, s2  }
0x8d: {  	s2 =	sadd.s32 s2, s17  }
0x8e: {  	[smem:$0x3FBE] =	sst s2  }
0x8f: {  	_ = 	snop  }
0x90: {  	s2 =	sld [smem:$0x3FD0];
	(tm) =	ssettm $0x1  }
0x91: {  	s18 =	sld [smem:$0x3FFB];
	_ =	sdelay $0x3  }
0x92: {  	_ =	strace s18  }
0x93: {  	s3 =	sld [smem:$0x3FFC];
	_ =	sdelay $0x3  }
0x94: {  	_ =	strace s3  }
0x95: {  	s3 =	sld [smem:$0x3FFD];
	_ =	sdelay $0x3  }
0x96: {  	_ =	strace s3  }
0x97: {  	_ =	strace $0x8FFFFFFF  }
0x98: {  	s19 =	sld [smem:$0x3FDB];
	_ =	sdelay $0x1  }
0x99: {  	s4 =	simm.s32 $_scs_section_size  }
0x9a: {  	s5 =	simm.s32 $_size__tile_overlayer_lowered;
	s6 =	simm.s32 $_tile_overlayer_lowered  }
0x9b: {  	s22 =	simm.s32 $0x1BFF;
	s21 =	sshll.u32 s6, $0x1;
	s3 =	sadd.s32 s4, s19  }
0x9c: {  	s7 =	simm.s32 $0x0;
	s20 =	sshll.u32 s5, $0x1;
	s5 =	sadd.s32 s21, s3  }
0x9d: {  	[timem:s7], [sflag:s22] =	dma.local [hbm:s5], s20  }
0x9e: {  	_ =	swait.ge [sflag:s22], s20  }
0x9f: {  	s4 =	ssub.s32 $0x0, s20;
	[sflag:s22] =	ssyncset.done $0x0  }
0xa0: {  	[sflag:s22] =	ssyncadd.s32 s4;
	_ =	sdelay $0x1  }
0xa1: {  	s23 =	simm.s32 $0x1B8B  }
0xa2: {  	_ =	swait.ge [sflag:s23], $0x1  }
0xa3: {  	[sflag:s23] =	ssyncset.done $0x0  }
0xa4: {  	s25 =	simm.s32 $0x1B8E;
	s24 =	sld [smem:$0x3FFE];
	[sflag:s23] =	ssyncadd.s32 $0xFFFFFFFF  }
0xa5: {  	s26 =	simm.s32 $execute0_lowered;
	[smem:$0x3FD2] =	sst s25  }
0xa6: {  	s5 =	sshll.u32 s26, $0x1;
	_ =	strace $0x80000046;
	[dreg:$0x1] =	wrdreg $0xFFFFFFFF  }
0xa7: {  	s28 =	simm.s32 $_size_execute0_lowered;
	s3 =	sadd.s32 s3, s5;
	[dreg:$0x0] =	wrdreg $0x0  }
0xa8: {  	s5 =	sshll.u32 s28, $0x1;
	[dreg:$0x2] =	wrdreg s3  }
0xa9: {  	[dreg:$0x3] =	wrdreg s5  }
0xaa: {  	[dreg:$0x4] =	wrdreg $0xC0  }
0xab: {  	_ =	task [dreg:s7], $0x5FFFF  }
0xac: {  	[dreg:$0x1] =	wrdreg $0xFFFFFFFF  }
0xad: {  	[dreg:$0x0] =	wrdreg $0x60  }
0xae: {  	[dreg:$0x2] =	wrdreg s24  }
0xaf: {  	[dreg:$0x3] =	wrdreg s2  }
0xb0: {  	[dreg:$0x4] =	wrdreg $0x9  }
0xb1: {  	_ =	task.clear_ibuf [dreg:s7], $0x5FFFF;
	_ =	strace $0x90000046  }
0xb2: {  	s29 =	simm.s32 $0x9;
	_ =	strace $0x80000048  }
0xb3: {  	_ =	swait.ge [sflag:s29], $0x1  }
0xb4: {  	[sflag:s29] =	ssyncadd.s32 $0xFFFFFFFF  }
0xb5: {  	_ =	strace $0x90000048  }
0xb6: {  	_ =	sfence  }
0xb7: {  	s30 =	sld [smem:$0x0];
	_ =	sdelay $0x2  }
0xb8: {  	s31 =	sshll.u32 s1, $0xD;
	s1 =	sshrl.u32 s1, $0x2  }
0xb9: {  	s3 =	sand.u32 $0x4000, s31;
	s1 =	sadd.s32 s1, s30  }
0xba: {  	s0 =	sor.u32 s3, s0;
	s1 =	sshll.u32 s1, $0x11  }
0xbb: {  	s0 =	sor.u32 s1, s0  }
0xbc: {  	s0 =	sadd.s32 $0x8F2B, s0  }
0xbd: {  	[sflag:s0] =	ssyncadd.remote.s32 $0x1  }
0xbe: {  	_ =	sfence.sel $0xFFFF  }
0xbf: {  	[dreg:$0x0] =	wrdreg $0xFFFFFFFF;
	(pc) =	sbr.abs _section_cstart, $3  }
0xc0: {  	[dreg:$0x1] =	wrdreg $0xFFFFFFFF  }
0xc1: {  	_ =	task.clear_ibuf [dreg:s7], $0x2FFFF;
	_ =	strace $0x9FFFFFFF  }
0xc2: {  	(tm) =	ssettm $0x7FFFFFFF  }
0xc3: {  	_ =	shalt  }
tec
execute0_lowered:
.L_overlay_start_1:
0x0: {  	(tag) =	ssettag $0x1  }
0x1: {  	s1 =	rddreg [dreg:$0x0]  }
0x2: {  	s4 =	rddreg [dreg:$0x1];
	s2 =	srdreg.scid  }
0x3: {  	s0 =	rddreg [dreg:$0x2];
	s14 =	sand.u32 $0x1, s2  }
0x4: {  	s3 =	simm.s32 $0x0;
	s2 =	stileid.u32;
	s5 =	sshll.u32 s14, $0x6  }
0x5: {  	[smem:$0x7FF] =	sst s3;
	s6 =	sshll.u32 s2, $0x7;
	s4 =	sadd.s32 s4, s5  }
0x6: {  	_ =	strace $0x80000047;
	s5 =	sadd.s32 s6, s4;
	s4 =	simm.s32 $0x2  }
0x7: {  	[tilespmem:s3], [sflag:$0x2] =	stream.linear.gather [hbm4b:s5+s3], $0x200, $0x38;
	[tilespmem:$0x10200] =	vst v63  }
0x8: {  	_ =	swait.ge [sflag:s4], $0x200  }
0x9: {  	[sflag:s4] =	ssyncset.done $0x0  }
0xa: {  	s7 =	simm.s32 $0x200;
	s6 =	simm.s32 $0x80;
	[sflag:s4] =	ssyncadd.s32 $0xFFFFFE00  }
0xb: {  	[tilespmem:s7], [sflag:$0x1] =	stream.indirect.gather [hbm4b:s1+s6], $0x80, s3, s6, $0xb8;
	[tilespmem:$0x10200] =	vst v63  }
0xc: {  	s8 =	simm.s32 $0x4200  }
0xd: {  	[tilespmem:s8], [sflag:$0x1] =	stream.indirect.gather [hbm4b:s1+s6], $0x80, s6, s6, $0xb8;
	[tilespmem:$0x10200] =	vst v63  }
0xe: {  	s9 =	simm.s32 $0x100;
	s10 =	simm.s32 $0x8200  }
0xf: {  	[tilespmem:s10], [sflag:$0x1] =	stream.indirect.gather [hbm4b:s1+s6], $0x80, s9, s6, $0xb8;
	[tilespmem:$0x10200] =	vst v63  }
0x10: {  	s11 =	simm.s32 $0x180;
	s12 =	simm.s32 $0xC200;
	s13 =	simm.s32 $0x1  }
0x11: {  	[tilespmem:s12], [sflag:$0x1] =	stream.indirect.gather [hbm4b:s1+s6], $0x80, s11, s6, $0xb8;
	[tilespmem:$0x10200] =	vst v63  }
0x12: {  	_ =	swait.ge [sflag:s13], $0x4000  }
0x13: {  	[sflag:s13] =	ssyncset.done $0x0  }
0x14: {  	[sflag:s13] =	ssyncadd.s32 $0xFFFFC000  }
0x15: {  	_ =	swait.ge [sflag:s13], $0x4000  }
0x16: {  	[sflag:s13] =	ssyncset.done $0x0  }
0x17: {  	s15 =	sshll.u32 s14, $0xD;
	s14 =	ssub.s32 $0x2, s14;
	[sflag:s13] =	ssyncadd.s32 $0xFFFFC000  }
0x18: {  	s16 =	sshrl.u32 s14, $0x1;
	_ =	swait.ge [sflag:s13], $0x4000  }
0x19: {  	s16 =	ssub.s32 s14, s16;
	[sflag:s13] =	ssyncset.done $0x0  }
0x1a: {  	s17 =	sshll.u32 s2, $0xE;
	s31 =	smax.u32 s16, $0x1;
	[sflag:s13] =	ssyncadd.s32 $0xFFFFC000  }
0x1b: {  	s15 =	sadd.s32 s15, s1;
	p0 =	sne.s32 s31, $0x1;
	_ =	swait.ge [sflag:s13], $0x4000  }
.Ltmp0:
0x1c: {  	s30 =	sadd.s32 s17, s15;
	[sflag:s13] =	ssyncset.done $0x0;
	(pc) =	sbr.rel @!p0 .LBB2_2-.Ltmp0, $4  }
0x1d: {  	s14 =	sadd.s32 $0x20000, s30;
	[sflag:s13] =	ssyncadd.s32 $0xFFFFC000  }
0x1e: {  	[hbm4b:s14+s3] =	stream.linear.scatter [tilespmem:s7], [sflag:$0x2], $0x10000, $0x38;
	[tilespmem:$0x10200] =	vst v63  }
0x1f: {  	_ =	swait.ge [sflag:s4], $0x10000  }
0x20: {  	s15 =	sadd.s32 $0xFFFFFFFF, s31;
	[sflag:s4] =	ssyncset.done $0x0  }
.LBB2_1:
0x21: {  	p0 =	sne.s32 s15, $0x1;
	s15 =	sadd.s32 $0xFFFFFFFF, s15;
	[sflag:s4] =	ssyncadd.s32 $0xFFFF0000  }
0x22: {  	[tilespmem:s3], [sflag:$0x2] =	stream.linear.gather [hbm4b:s5+s3], $0x200, $0x38;
	[tilespmem:$0x10200] =	vst v63  }
0x23: {  	_ =	swait.ge [sflag:s4], $0x200  }
0x24: {  	[sflag:s4] =	ssyncset.done $0x0  }
0x25: {  	[sflag:s4] =	ssyncadd.s32 $0xFFFFFE00  }
0x26: {  	[tilespmem:s7], [sflag:$0x1] =	stream.indirect.gather [hbm4b:s1+s6], $0x80, s3, s6, $0xb8;
	[tilespmem:$0x10200] =	vst v63  }
0x27: {  	_ = 	snop  }
0x28: {  	[tilespmem:s8], [sflag:$0x1] =	stream.indirect.gather [hbm4b:s1+s6], $0x80, s6, s6, $0xb8;
	[tilespmem:$0x10200] =	vst v63  }
0x29: {  	_ = 	snop  }
0x2a: {  	[tilespmem:s10], [sflag:$0x1] =	stream.indirect.gather [hbm4b:s1+s6], $0x80, s9, s6, $0xb8;
	[tilespmem:$0x10200] =	vst v63  }
0x2b: {  	_ = 	snop  }
0x2c: {  	[tilespmem:s12], [sflag:$0x1] =	stream.indirect.gather [hbm4b:s1+s6], $0x80, s11, s6, $0xb8;
	[tilespmem:$0x10200] =	vst v63  }
0x2d: {  	_ =	swait.ge [sflag:s13], $0x4000  }
0x2e: {  	[sflag:s13] =	ssyncset.done $0x0  }
0x2f: {  	[sflag:s13] =	ssyncadd.s32 $0xFFFFC000  }
0x30: {  	_ =	swait.ge [sflag:s13], $0x4000  }
0x31: {  	[sflag:s13] =	ssyncset.done $0x0  }
0x32: {  	[sflag:s13] =	ssyncadd.s32 $0xFFFFC000  }
0x33: {  	_ =	swait.ge [sflag:s13], $0x4000  }
0x34: {  	[sflag:s13] =	ssyncset.done $0x0  }
0x35: {  	[sflag:s13] =	ssyncadd.s32 $0xFFFFC000  }
0x36: {  	_ =	swait.ge [sflag:s13], $0x4000  }
.Ltmp1:
0x37: {  	[sflag:s13] =	ssyncset.done $0x0;
	(pc) =	sbr.rel @p0 .LBB2_1-.Ltmp1, $4  }
0x38: {  	[sflag:s13] =	ssyncadd.s32 $0xFFFFC000  }
0x39: {  	[hbm4b:s14+s3] =	stream.linear.scatter [tilespmem:s7], [sflag:$0x2], $0x10000, $0x38;
	[tilespmem:$0x10200] =	vst v63  }
0x3a: {  	_ =	swait.ge [sflag:s4], $0x10000  }
0x3b: {  	[sflag:s4] =	ssyncset.done $0x0  }
.LBB2_2:
0x3c: {  	[sflag:s4] =	ssyncadd.s32 $0xFFFF0000  }
0x3d: {  	_ =	sfence.sel $0x180000  }
0x3e: {  	[bflag:$0x0] =	sbarrier.arrive $0xFFFF  }
0x3f: {  	p0 =	sne.s32 s2, $0x0;
	_ =	strace $0x90000047  }
0x40: {  	s0 =	sadd.s32 @!p0 $0x100000, s0;
	[bflag:$0x2] =	sbarrier.arrive $0xFFFF  }
0x41: {  	[sflag:s0] =	ssyncadd.tile.s32 @!p0 $0x1;
	_ =	shalt  }
.Lfunc_end2:
_tile_overlayer_lowered:
.L_overlay_start_2:
0x42: {  	(tag) =	ssettag $0x2  }
0x43: {  	s0 =	rddreg [dreg:$0x0];
	s2 =	stileid.u32  }
0x44: {  	s1 =	rddreg [dreg:$0x1];
	p0 =	sne.s32 s2, $0x0  }
0x45: {  	s3 =	rddreg [dreg:$0x2];
	[bflag:$0x3] =	sbarrier.arrive $0xFFFF;
	s2 =	simm.s32 @!p0 $0x1C02  }
0x46: {  	[timem:s3], [sflag:s2] =	dma.local @!p0 [hbm:s0], s1  }
0x47: {  	s0 =	simm.s32 @!p0 $0x2  }
0x48: {  	_ =	swait.ge @!p0 [sflag:s0], s1  }
0x49: {  	s1 =	ssub.s32 @!p0 $0x0, s1;
	[sflag:s0] =	ssyncset.done @!p0 $0x0  }
0x4a: {  	[sflag:s0] =	ssyncadd.s32 @!p0 s1  }
0x4b: {  	[bflag:$0x3] =	sbarrier.arrive $0xFFFF  }
0x4c: {  	_ =	shalt  }

// kernel: kernel.8.cloned.1.call-start
scs
__scs_entry_jumppad:
0x0: {  	(pc) =	sbr.rel $0x88, $3  }
0x1: {  	(tag) =	ssettag $0x0;
	lr =	simm.s32 $0x1  }
0x2: {  	[smem:$0x3F97] =	sst lr;
	_ =	strace $0xD0000000  }
0x3: {  	_ = 	snop  }
0x4: {  	_ = 	snop  }
0x5: {  	_ = 	snop  }
0x6: {  	_ = 	snop  }
0x7: {  	_ = 	snop  }
__scs_overlays_trampoline_lowered:
0x8: {  	[smem:$0x3FA6] =	sst s0  }
0x9: {  	[smem:$0x3FA7] =	sst s1  }
0xa: {  	[smem:$0x3FA8] =	sst s2  }
0xb: {  	[smem:$0x3FA9] =	sst s3  }
0xc: {  	[smem:$0x3FAA] =	sst s4  }
0xd: {  	[smem:$0x3FAB] =	sst s5  }
0xe: {  	[smem:$0x3FAC] =	sst s6  }
0xf: {  	[smem:$0x3FAD] =	sst s7  }
0x10: {  	[smem:$0x3FAE] =	sst s8  }
0x11: {  	[smem:$0x3FAF] =	sst s9;
	s0 =	simm.s32 @!p0 $0x0  }
0x12: {  	s1 =	sld [smem:$0x3F95];
	s0 =	simm.s32 @p0 $0x1  }
0x13: {  	[smem:$0x3FB0] =	sst s0;
	s0 =	simm.s32 @!p1 $0x0  }
0x14: {  	s2 =	sld [smem:$0x3F94];
	s0 =	simm.s32 @p1 $0x1  }
0x15: {  	[smem:$0x3FB1] =	sst s0;
	s0 =	simm.s32 @!p2 $0x0  }
0x16: {  	s3 =	sld [smem:$0x3FDB];
	s0 =	simm.s32 @p2 $0x1  }
0x17: {  	s4 =	simm.s32 $0x1BF5;
	[smem:$0x3FB3] =	sst s0  }
0x18: {  	s0 =	sld [smem:$0x3F96];
	_ =	swait.ge [sflag:s4], $0x0  }
0x19: {  	s7 =	sld [smem:$0x3F97]  }
0x1a: {  	s8 =	sadd.s32 $0xFFFFE003, lr  }
0x1b: {  	s9 =	sadd.s32 $0xFFFFFEF7, lr;
	s5 =	simm.s32 $0xFFFFFFFF;
	p2 =	slt.u32 s8, $0xFFFFF086  }
0x1c: {  	p1 =	slt.u32 s9, $0xF7A;
	s5 =	simm.s32 @!p2 $0x0  }
0x1d: {  	s5 =	simm.s32 @p1 $0x1;
	p0 =	seq.s32 s7, s2  }
0x1e: {  	s7 =	smul.u32 @!p0 $0xF7A, s2;
	p2 =	seq.s32 @!p0 s5, $0x0  }
0x1f: {  	s9 =	smul.u32 $0xF7A, s1;
	s8 =	simm.s32 @!p0 $0x1BF5;
	p2 =	por !p2, p0  }
0x20: {  	[sflag:s8] =	ssyncset.s32 @!p0 $0xFFFFF086;
	s6 =	sadd.s32 @!p0 s3, s7;
	s7 =	simm.s32 @!p0 $0x108  }
0x21: {  	s3 =	sadd.s32 s3, s9;
	s6 =	sadd.s32 @!p0 $0x88, s6;
	s7 =	simm.s32 @p2 $0x1082  }
0x22: {  	[simem:s7], [sflag:s8] =	dma.local @!p0 [hbm:s6], $0xF7A  }
0x23: {  	s9 =	sor.u32 $0xD0000000, s2;
	s6 =	simm.s32 $0x108;
	_ =	swait.ge @!p0 [sflag:s8], $0x0  }
0x24: {  	s3 =	sadd.s32 $0x88, s3;
	s6 =	simm.s32 @!p1 $0x1082;
	[sflag:s4] =	ssyncset.s32 $0xFFFFF086  }
0x25: {  	[simem:s6], [sflag:s4] =	dma.local [hbm:s3], $0xF7A  }
0x26: {  	[smem:$0x3F97] =	sst s1;
	(tag) =	ssettag s2;
	_ =	strace s9  }
0x27: {  	s1 =	sld [smem:$0x3FA7]  }
0x28: {  	s2 =	sld [smem:$0x3FA8]  }
0x29: {  	s4 =	sld [smem:$0x3FAA]  }
0x2a: {  	p0 =	seq.s32 s5, $0x0;
	s5 =	sld [smem:$0x3FAB]  }
0x2b: {  	s6 =	sld [smem:$0x3FAC]  }
0x2c: {  	s7 =	sld [smem:$0x3FAD]  }
0x2d: {  	s3 =	simm.s32 $0x108;
	s8 =	sld [smem:$0x3FAE]  }
0x2e: {  	s3 =	simm.s32 @!p0 $0x1082;
	s9 =	sld [smem:$0x3FAF]  }
0x2f: {  	lr =	sadd.s32 s0, s3;
	s0 =	sld [smem:$0x3FA6]  }
0x30: {  	s3 =	sld [smem:$0x3FA9]  }
0x31: {  	[smem:$0x3FB2] =	sst s10  }
0x32: {  	s10 =	sld [smem:$0x3FB0];
	_ =	sdelay $0x3  }
0x33: {  	p0 =	seq.s32 s10, $0x1;
	s10 =	sld [smem:$0x3FB2];
	_ =	sdelay $0x3  }
0x34: {  	[smem:$0x3FB2] =	sst s10  }
0x35: {  	s10 =	sld [smem:$0x3FB1];
	_ =	sdelay $0x3  }
0x36: {  	p1 =	seq.s32 s10, $0x1;
	s10 =	sld [smem:$0x3FB2];
	_ =	sdelay $0x3  }
0x37: {  	[smem:$0x3FB2] =	sst s10  }
0x38: {  	s10 =	sld [smem:$0x3FB3]  }
0x39: {  	_ = 	snop;
	(pc) =	sbr.ind lr, $3  }
0x3a: {  	_ = 	snop  }
0x3b: {  	_ = 	snop  }
0x3c: {  	p2 =	seq.s32 s10, $0x1;
	s10 =	sld [smem:$0x3FB2]  }
0x3d: {  	_ =	shalt  }
0x3e: {  	_ =	shalt  }
0x3f: {  	_ =	shalt  }
0x40: {  	_ =	shalt  }
0x41: {  	_ =	shalt  }
0x42: {  	_ =	shalt  }
0x43: {  	_ =	shalt  }
0x44: {  	_ =	shalt  }
0x45: {  	_ =	shalt  }
0x46: {  	_ =	shalt  }
0x47: {  	_ =	shalt  }
0x48: {  	_ =	shalt  }
0x49: {  	_ =	shalt  }
0x4a: {  	_ =	shalt  }
0x4b: {  	_ =	shalt  }
0x4c: {  	_ =	shalt  }
0x4d: {  	_ =	shalt  }
0x4e: {  	_ =	shalt  }
0x4f: {  	_ =	shalt  }
0x50: {  	_ =	shalt  }
0x51: {  	_ =	shalt  }
0x52: {  	_ =	shalt  }
0x53: {  	_ =	shalt  }
0x54: {  	_ =	shalt  }
0x55: {  	_ =	shalt  }
0x56: {  	_ =	shalt  }
0x57: {  	_ =	shalt  }
0x58: {  	_ =	shalt  }
0x59: {  	_ =	shalt  }
0x5a: {  	_ =	shalt  }
0x5b: {  	_ =	shalt  }
0x5c: {  	_ =	shalt  }
0x5d: {  	_ =	shalt  }
0x5e: {  	_ =	shalt  }
0x5f: {  	_ =	shalt  }
0x60: {  	_ =	shalt  }
0x61: {  	_ =	shalt  }
0x62: {  	_ =	shalt  }
0x63: {  	_ =	shalt  }
0x64: {  	_ =	shalt  }
0x65: {  	_ =	shalt  }
0x66: {  	_ =	shalt  }
0x67: {  	_ =	shalt  }
0x68: {  	_ =	shalt  }
0x69: {  	_ =	shalt  }
0x6a: {  	_ =	shalt  }
0x6b: {  	_ =	shalt  }
0x6c: {  	_ =	shalt  }
0x6d: {  	_ =	shalt  }
0x6e: {  	_ =	shalt  }
0x6f: {  	_ =	shalt  }
0x70: {  	_ =	shalt  }
0x71: {  	_ =	shalt  }
0x72: {  	_ =	shalt  }
0x73: {  	_ =	shalt  }
0x74: {  	_ =	shalt  }
0x75: {  	_ =	shalt  }
0x76: {  	_ =	shalt  }
0x77: {  	_ =	shalt  }
0x78: {  	_ =	shalt  }
0x79: {  	_ =	shalt  }
0x7a: {  	_ =	shalt  }
0x7b: {  	_ =	shalt  }
0x7c: {  	_ =	shalt  }
0x7d: {  	_ =	shalt  }
0x7e: {  	_ =	shalt  }
0x7f: {  	_ =	shalt  }
0x80: {  	_ =	shalt  }
0x81: {  	_ =	shalt  }
0x82: {  	_ =	shalt  }
0x83: {  	_ =	shalt  }
0x84: {  	_ =	shalt  }
0x85: {  	_ =	shalt  }
0x86: {  	_ =	shalt  }
0x87: {  	_ =	shalt  }
.Lfunc_end0:
.L_simem_size_0:
called_computation.1_lowered:
.L_overlay_start_0:
0x88: {  	s2 =	sld [smem:$0x3FD9]  }
0x89: {  	s3 =	sld [smem:$0x3FFE];
	_ =	sdelay $0x1  }
0x8a: {  	s1 =	srdreg.scid  }
0x8b: {  	s0 =	sand.u32 $0x1, s1  }
0x8c: {  	s16 =	sshll.u32 s0, $0xA;
	s2 =	sadd.s32 s3, s2  }
0x8d: {  	s2 =	sadd.s32 s2, s16  }
0x8e: {  	[smem:$0x3FBE] =	sst s2  }
0x8f: {  	_ = 	snop  }
0x90: {  	(tm) =	ssettm $0x1  }
0x91: {  	s17 =	sld [smem:$0x3FFB];
	_ =	sdelay $0x3  }
0x92: {  	_ =	strace s17  }
0x93: {  	s2 =	sld [smem:$0x3FFC];
	_ =	sdelay $0x3  }
0x94: {  	_ =	strace s2  }
0x95: {  	s2 =	sld [smem:$0x3FFD];
	_ =	sdelay $0x3  }
0x96: {  	_ =	strace s2  }
0x97: {  	_ =	strace $0x8FFFFFFF  }
0x98: {  	s18 =	sld [smem:$0x3FDB];
	_ =	sdelay $0x1  }
0x99: {  	s19 =	simm.s32 $_scs_section_size  }
0x9a: {  	s4 =	simm.s32 $_size__tile_overlayer_lowered;
	s5 =	simm.s32 $_tile_overlayer_lowered  }
0x9b: {  	s22 =	simm.s32 $0x1BFF;
	s21 =	sshll.u32 s5, $0x1;
	s2 =	sadd.s32 s19, s18  }
0x9c: {  	s6 =	simm.s32 $0x0;
	s20 =	sshll.u32 s4, $0x1;
	s4 =	sadd.s32 s21, s2  }
0x9d: {  	[timem:s6], [sflag:s22] =	dma.local [hbm:s4], s20  }
0x9e: {  	_ =	swait.ge [sflag:s22], s20  }
0x9f: {  	s3 =	ssub.s32 $0x0, s20;
	[sflag:s22] =	ssyncset.done $0x0  }
0xa0: {  	[sflag:s22] =	ssyncadd.s32 s3;
	_ =	sdelay $0x1  }
0xa1: {  	s23 =	simm.s32 $0x1B8B  }
0xa2: {  	_ =	swait.ge [sflag:s23], $0x1  }
0xa3: {  	[sflag:s23] =	ssyncset.done $0x0  }
0xa4: {  	s25 =	simm.s32 $0x1B8E;
	s24 =	sld [smem:$0x3FFE];
	[sflag:s23] =	ssyncadd.s32 $0xFFFFFFFF  }
0xa5: {  	s26 =	simm.s32 $execute0_lowered;
	[smem:$0x3FD2] =	sst s25  }
0xa6: {  	s4 =	sshll.u32 s26, $0x1;
	_ =	strace $0x80000049;
	[dreg:$0x1] =	wrdreg $0xFFFFFFFF  }
0xa7: {  	s28 =	simm.s32 $_size_execute0_lowered;
	s2 =	sadd.s32 s2, s4;
	[dreg:$0x0] =	wrdreg $0x0  }
0xa8: {  	s4 =	sshll.u32 s28, $0x1;
	[dreg:$0x2] =	wrdreg s2  }
0xa9: {  	[dreg:$0x3] =	wrdreg s4  }
0xaa: {  	[dreg:$0x4] =	wrdreg $0xC0  }
0xab: {  	_ =	task [dreg:s6], $0x5FFFF  }
0xac: {  	[dreg:$0x1] =	wrdreg $0xFFFFFFFF  }
0xad: {  	[dreg:$0x0] =	wrdreg $0x60  }
0xae: {  	[dreg:$0x2] =	wrdreg s24  }
0xaf: {  	[dreg:$0x3] =	wrdreg $0x9  }
0xb0: {  	_ =	task.clear_ibuf [dreg:s6], $0x4FFFF;
	_ =	strace $0x90000049  }
0xb1: {  	s29 =	simm.s32 $0x9;
	_ =	strace $0x8000004B  }
0xb2: {  	_ =	swait.ge [sflag:s29], $0x1  }
0xb3: {  	[sflag:s29] =	ssyncadd.s32 $0xFFFFFFFF  }
0xb4: {  	_ =	strace $0x9000004B  }
0xb5: {  	_ =	sfence  }
0xb6: {  	s30 =	sld [smem:$0x0];
	_ =	sdelay $0x2  }
0xb7: {  	s31 =	sshll.u32 s1, $0xD;
	s1 =	sshrl.u32 s1, $0x2  }
0xb8: {  	s3 =	sand.u32 $0x4000, s31;
	s1 =	sadd.s32 s1, s30  }
0xb9: {  	s0 =	sor.u32 s3, s0;
	s1 =	sshll.u32 s1, $0x11  }
0xba: {  	s0 =	sor.u32 s1, s0  }
0xbb: {  	s0 =	sadd.s32 $0x8F2B, s0  }
0xbc: {  	[sflag:s0] =	ssyncadd.remote.s32 $0x1  }
0xbd: {  	_ =	sfence.sel $0xFFFF  }
0xbe: {  	[dreg:$0x0] =	wrdreg $0xFFFFFFFF;
	(pc) =	sbr.abs _section_cstart, $3  }
0xbf: {  	[dreg:$0x1] =	wrdreg $0xFFFFFFFF  }
0xc0: {  	_ =	task.clear_ibuf [dreg:s6], $0x2FFFF;
	_ =	strace $0x9FFFFFFF  }
0xc1: {  	(tm) =	ssettm $0x7FFFFFFF  }
tec
execute0_lowered:
.L_overlay_start_1:
0x0: {  	(tag) =	ssettag $0x1  }
0x1: {  	s2 =	rddreg [dreg:$0x0]  }
0x2: {  	s0 =	rddreg [dreg:$0x1];
	s3 =	simm.s32 $0x0;
	s4 =	srdreg.scid  }
0x3: {  	s1 =	stileid.u32;
	s9 =	simm.s32 $0x100;
	s10 =	simm.s32 $0x80  }
0x4: {  	s11 =	simm.s32 $0x200;
	s12 =	simm.s32 $0x8200;
	s13 =	simm.s32 $0x4200  }
0x5: {  	s14 =	simm.s32 $0x180;
	s15 =	simm.s32 $0xC200;
	s16 =	simm.s32 $0x1  }
0x6: {  	[smem:$0x7FF] =	sst s3;
	s4 =	sand.u32 $0x1, s4;
	s5 =	sshll.u32 s1, $0x1  }
0x7: {  	s17 =	simm.s32 $0x0;
	_ =	strace $0x8000004A;
	s5 =	sor.u32 s4, s5  }
0x8: {  	s4 =	ssub.s32 $0x2, s4;
	s6 =	sshll.u32 s5, $0x5;
	s5 =	sshll.u32 s5, $0xC  }
0x9: {  	s31 =	sshrl.u32 s4, $0x1;
	s6 =	sadd.s32 s6, s2;
	s7 =	sadd.s32 s5, s2  }
0xa: {  	s8 =	ssub.s32 s4, s31;
	s4 =	sadd.s32 $0x60000, s6;
	s5 =	sadd.s32 $0x60400, s6  }
0xb: {  	s6 =	sadd.s32 $0x40000, s7;
	s7 =	smax.u32 s8, $0x1;
	s8 =	simm.s32 $0x2  }
.LBB2_1:
0xc: {  	[tilespmem:s3], [sflag:$0x2] =	stream.linear.gather [hbm4b:s4+s3], $0x100, $0x38;
	[tilespmem:$0x10200] =	vst v63  }
0xd: {  	_ =	swait.ge [sflag:s8], $0x100  }
0xe: {  	[sflag:s8] =	ssyncset.done $0x0  }
0xf: {  	[sflag:s8] =	ssyncadd.s32 $0xFFFFFF00  }
0x10: {  	[tilespmem:s9], [sflag:$0x2] =	stream.linear.gather [hbm4b:s5+s3], $0x100, $0x38;
	[tilespmem:$0x10200] =	vst v63  }
0x11: {  	_ =	swait.ge [sflag:s8], $0x100  }
0x12: {  	[sflag:s8] =	ssyncset.done $0x0  }
0x13: {  	[sflag:s8] =	ssyncadd.s32 $0xFFFFFF00  }
0x14: {  	[tilespmem:s11], [sflag:$0x1] =	stream.indirect.gather [hbm4b:s2+s10], $0x80, s3, s10, $0xb8;
	[tilespmem:$0x10200] =	vst v63  }
0x15: {  	_ = 	snop  }
0x16: {  	[tilespmem:s12], [sflag:$0x1] =	stream.indirect.gather [hbm4b:s2+s10], $0x80, s9, s10, $0xb8;
	[tilespmem:$0x10200] =	vst v63  }
0x17: {  	_ = 	snop  }
0x18: {  	[tilespmem:s13], [sflag:$0x1] =	stream.indirect.gather [hbm4b:s2+s10], $0x80, s10, s10, $0xb8;
	[tilespmem:$0x10200] =	vst v63  }
0x19: {  	_ = 	snop  }
0x1a: {  	[tilespmem:s15], [sflag:$0x1] =	stream.indirect.gather [hbm4b:s2+s10], $0x80, s14, s10, $0xb8;
	[tilespmem:$0x10200] =	vst v63  }
0x1b: {  	_ =	swait.ge [sflag:s16], $0x4000  }
0x1c: {  	[sflag:s16] =	ssyncset.done $0x0  }
0x1d: {  	[sflag:s16] =	ssyncadd.s32 $0xFFFFC000  }
0x1e: {  	_ =	swait.ge [sflag:s16], $0x4000  }
0x1f: {  	[sflag:s16] =	ssyncset.done $0x0  }
0x20: {  	[sflag:s16] =	ssyncadd.s32 $0xFFFFC000  }
0x21: {  	_ =	swait.ge [sflag:s16], $0x4000  }
0x22: {  	[sflag:s16] =	ssyncset.done $0x0  }
0x23: {  	[sflag:s16] =	ssyncadd.s32 $0xFFFFC000  }
0x24: {  	_ =	swait.ge [sflag:s16], $0x4000  }
0x25: {  	[sflag:s16] =	ssyncset.done $0x0  }
0x26: {  	s18 =	simm.s32 $0x0;
	[sflag:s16] =	ssyncadd.s32 $0xFFFFC000  }
0x27: {  	v7 =	vld [tilespmem:s18+$0x8200]  }
0x28: {  	v11 =	vld [tilespmem:s18+$0x8210]  }
0x29: {  	v5 =	vld [tilespmem:s18+$0x8220]  }
0x2a: {  	v4 =	vld [tilespmem:s18+$0x8230]  }
0x2b: {  	v3 =	vld [tilespmem:s18+$0x8240]  }
0x2c: {  	v2 =	vld [tilespmem:s18+$0x8250]  }
0x2d: {  	v1 =	vld [tilespmem:s18+$0x8260]  }
0x2e: {  	v0 =	vld [tilespmem:s18+$0x8270]  }
0x2f: {  	v12 =	vld [tilespmem:s18+$0x200]  }
0x30: {  	v13 =	vld [tilespmem:s18+$0x210]  }
0x31: {  	v10 =	vld [tilespmem:s18+$0x220]  }
0x32: {  	v9 =	vld [tilespmem:s18+$0x230]  }
0x33: {  	v8 =	vld [tilespmem:s18+$0x240]  }
0x34: {  	v6 =	vld [tilespmem:s18+$0x250];
	v12 =	vadd.f32 v7, v12  }
0x35: {  	s19 =	simm.s32 $0x200;
	v11 =	vadd.f32 v11, v13;
	v7 =	vld [tilespmem:s18+$0x260]  }
.LBB2_2:
0x36: {  	s20 =	sshra.s32 s19, $0x2;
	p0 =	sne.s32 s19, $0x1FE00;
	[tilespmem:s18+$0x200] =	vst v12;
	v5 =	vadd.f32 v5, v10;
	v10 =	vld [tilespmem:s18+$0x270]  }
0x37: {  	v12 =	vld [tilespmem:s20+$0x8200];
	[tilespmem:s18+$0x210] =	vst v11;
	v4 =	vadd.f32 v4, v9  }
0x38: {  	v11 =	vld [tilespmem:s20+$0x8210];
	[tilespmem:s18+$0x220] =	vst v5;
	v3 =	vadd.f32 v3, v8  }
0x39: {  	v5 =	vld [tilespmem:s20+$0x8220];
	[tilespmem:s18+$0x230] =	vst v4;
	v2 =	vadd.f32 v2, v6  }
0x3a: {  	v4 =	vld [tilespmem:s20+$0x8230];
	[tilespmem:s18+$0x240] =	vst v3;
	v1 =	vadd.f32 v1, v7  }
0x3b: {  	v3 =	vld [tilespmem:s20+$0x8240];
	[tilespmem:s18+$0x250] =	vst v2;
	v0 =	vadd.f32 v0, v10  }
0x3c: {  	v2 =	vld [tilespmem:s20+$0x8250];
	[tilespmem:s18+$0x260] =	vst v1  }
0x3d: {  	v1 =	vld [tilespmem:s20+$0x8260];
	[tilespmem:s18+$0x270] =	vst v0;
	s18 =	smov.u32 s20  }
0x3e: {  	v0 =	vld [tilespmem:s18+$0x8270]  }
0x3f: {  	v6 =	vld [tilespmem:s18+$0x200]  }
0x40: {  	v7 =	vld [tilespmem:s18+$0x210]  }
.Ltmp0:
0x41: {  	v10 =	vld [tilespmem:s18+$0x220];
	(pc) =	sbr.rel @p0 .LBB2_2-.Ltmp0, $4  }
0x42: {  	v9 =	vld [tilespmem:s18+$0x230]  }
0x43: {  	v8 =	vld [tilespmem:s18+$0x240]  }
0x44: {  	v12 =	vadd.f32 v12, v6;
	v6 =	vld [tilespmem:s18+$0x250]  }
0x45: {  	s19 =	sadd.s32 $0x200, s19;
	v11 =	vadd.f32 v11, v7;
	v7 =	vld [tilespmem:s18+$0x260]  }
0x46: {  	[tilespmem:s18+$0x200] =	vst v12;
	v5 =	vadd.f32 v5, v10;
	v63 =	vld [tilespmem:s18+$0x270]  }
0x47: {  	[tilespmem:s18+$0x210] =	vst v11;
	v4 =	vadd.f32 v4, v9  }
0x48: {  	[tilespmem:s18+$0x220] =	vst v5;
	v3 =	vadd.f32 v3, v8  }
0x49: {  	[tilespmem:s18+$0x230] =	vst v4;
	v2 =	vadd.f32 v2, v6  }
0x4a: {  	[tilespmem:s18+$0x240] =	vst v3;
	v1 =	vadd.f32 v1, v7  }
0x4b: {  	s17 =	sadd.s32 $0x1, s17;
	[tilespmem:s18+$0x250] =	vst v2;
	v0 =	vadd.f32 v0, v63  }
0x4c: {  	p0 =	sne.s32 s17, s7;
	[tilespmem:s18+$0x260] =	vst v1  }
.Ltmp1:
0x4d: {  	[tilespmem:s18+$0x270] =	vst v0;
	(pc) =	sbr.rel @p0 .LBB2_1-.Ltmp1, $4  }
0x4e: {  	[hbm4b:s6+s3] =	stream.linear.scatter [tilespmem:s11], [sflag:$0x2], $0x8000, $0x38;
	[tilespmem:$0x10200] =	vst v63  }
0x4f: {  	_ =	swait.ge [sflag:s8], $0x8000  }
0x50: {  	[sflag:s8] =	ssyncset.done $0x0  }
0x51: {  	[sflag:s8] =	ssyncadd.s32 $0xFFFF8000  }
0x52: {  	_ =	sfence.sel $0x180000  }
0x53: {  	[bflag:$0x0] =	sbarrier.arrive $0xFFFF  }
0x54: {  	p0 =	sne.s32 s1, $0x0;
	_ =	strace $0x9000004A  }
0x55: {  	s0 =	sadd.s32 @!p0 $0x100000, s0;
	[bflag:$0x2] =	sbarrier.arrive $0xFFFF  }
0x56: {  	[sflag:s0] =	ssyncadd.tile.s32 @!p0 $0x1;
	_ =	shalt  }
.Lfunc_end2:
_tile_overlayer_lowered:
.L_overlay_start_2:
0x57: {  	(tag) =	ssettag $0x2  }
0x58: {  	s0 =	rddreg [dreg:$0x0];
	s2 =	stileid.u32  }
0x59: {  	s1 =	rddreg [dreg:$0x1];
	p0 =	sne.s32 s2, $0x0  }
0x5a: {  	s3 =	rddreg [dreg:$0x2];
	[bflag:$0x3] =	sbarrier.arrive $0xFFFF;
	s2 =	simm.s32 @!p0 $0x1C02  }
0x5b: {  	[timem:s3], [sflag:s2] =	dma.local @!p0 [hbm:s0], s1  }
0x5c: {  	s0 =	simm.s32 @!p0 $0x2  }
0x5d: {  	_ =	swait.ge @!p0 [sflag:s0], s1  }
0x5e: {  	s1 =	ssub.s32 @!p0 $0x0, s1;
	[sflag:s0] =	ssyncset.done @!p0 $0x0  }
0x5f: {  	[sflag:s0] =	ssyncadd.s32 @!p0 s1  }
0x60: {  	[bflag:$0x3] =	sbarrier.arrive $0xFFFF  }
0x61: {  	_ =	shalt  }

</sc_bundles>
